<compile_context>
chip_gen: v7x
topology: tpu7x:2x2x1
jax: 0.10.2.dev20260603
libtpu: 0.0.44.dev20260713+nightly
codegen_flags: <defaults>
</compile_context>

<pallas_src>
import jax
import jax.numpy as jnp
from jax import lax
from jax.experimental import pallas as pl
from jax.experimental.pallas import tpu as pltpu
from jax.experimental.pallas import tpu_sc as plsc

HOURS = 24 * 7
SU, SL, TU, TL = 1000.0, 0.0, 500.0, 0.0
B, L, D = 1024, 20, 64
V = 100000
N = B * L
NW = 32
ROWS_W = N // NW
CHUNK = 128
NCH = ROWS_W // CHUNK
DEPTH = 3


CR = 6400


def _concat_body(lT_ref, uT_ref, o_ref):
    o_ref[:, 0:D] = lT_ref[...].T
    o_ref[:, D:2 * D] = uT_ref[...].T


def _concat(emb_lT, emb_uT):
    return pl.pallas_call(
        _concat_body,
        grid=(pl.cdiv(V, CR),),
        in_specs=[
            pl.BlockSpec((D, CR), lambda i: (0, i)),
            pl.BlockSpec((D, CR), lambda i: (0, i)),
        ],
        out_specs=pl.BlockSpec((CR, 2 * D), lambda i: (i, 0)),
        out_shape=jax.ShapeDtypeStruct((V, 2 * D), jnp.float32),
    )(emb_lT, emb_uT)


def _gather_sc(emb_lu_hbm, idx_l_hbm, idx_u_hbm, out_l_hbm, out_u_hbm,
               idx_l_v, idx_u_v, gl, gu, sem_g, sem_w):
    wid = lax.axis_index("s") * 2 + lax.axis_index("c")
    base = wid * ROWS_W

    pltpu.sync_copy(idx_l_hbm.at[wid], idx_l_v)
    pltpu.sync_copy(idx_u_hbm.at[wid], idx_u_v)

    def g_copies(c):
        s = c % DEPTH
        return (pltpu.make_async_copy(emb_lu_hbm.at[idx_l_v.at[c]],
                                      gl.at[s], sem_g),
                pltpu.make_async_copy(emb_lu_hbm.at[idx_u_v.at[c]],
                                      gu.at[s], sem_g))

    def w_copies(c):
        s = c % DEPTH
        r = pl.ds(base + c * CHUNK, CHUNK)
        return (pltpu.make_async_copy(gl.at[s], out_l_hbm.at[r], sem_w),
                pltpu.make_async_copy(gu.at[s], out_u_hbm.at[r], sem_w))

    for c in range(DEPTH):
        for cp in g_copies(c):
            cp.start()
    for c in range(NCH):
        for cp in g_copies(c):
            cp.wait()
        for cp in w_copies(c):
            cp.start()
        if c + DEPTH < NCH:
            for cp in w_copies(c):
                cp.wait()
            for cp in g_copies(c + DEPTH):
                cp.start()
    for c in range(max(0, NCH - DEPTH), NCH):
        for cp in w_copies(c):
            cp.wait()


def _gather(emb_lu, idx_l, idx_u):
    mesh = plsc.VectorSubcoreMesh(core_axis_name="c", subcore_axis_name="s")
    return pl.kernel(
        _gather_sc,
        out_type=(jax.ShapeDtypeStruct((N, 2 * D), jnp.float32),
                  jax.ShapeDtypeStruct((N, 2 * D), jnp.float32)),
        mesh=mesh,
        scratch_types=[
            pltpu.VMEM((8, CHUNK), jnp.int32),
            pltpu.VMEM((8, CHUNK), jnp.int32),
            pltpu.VMEM((DEPTH, CHUNK, 2 * D), jnp.float32),
            pltpu.VMEM((DEPTH, CHUNK, 2 * D), jnp.float32),
            pltpu.SemaphoreType.DMA,
            pltpu.SemaphoreType.DMA,
        ],
    )(emb_lu, idx_l, idx_u)




def _joint_body(tf_ref, g_l_ref, g_u_ref, et_ref, out_ref):
    et = et_ref[...].astype(jnp.bfloat16)
    iot = lax.broadcasted_iota(jnp.int32, (HOURS + 1, 1), 0)
    oh = (iot == tf_ref[0]).astype(jnp.bfloat16)
    tpart = lax.dot_general(et, oh, (((0,), (0,)), ((), ())),
                            preferred_element_type=jnp.float32)
    out_ref[0] = g_l_ref[:, 0:D].T + g_u_ref[:, D:2 * D].T + tpart


def _joint(tfT, g_l, g_u, emb_t):
    grid = (L,)
    gspec = pl.BlockSpec((B, 2 * D), lambda i: (i, 0))
    return pl.pallas_call(
        _joint_body,
        grid=grid,
        in_specs=[
            pl.BlockSpec((1, 1, B), lambda i: (i, 0, 0)),
            gspec, gspec,
            pl.BlockSpec((HOURS + 1, D), lambda i: (0, 0)),
        ],
        out_specs=pl.BlockSpec((1, D, B), lambda i: (i, 0, 0)),
        out_shape=jax.ShapeDtypeStruct((L, D, B), jnp.float32),
    )(tfT, g_l, g_u, emb_t)


PT = 16


def _delta_body(lens_ref, coef_ref, su_ref, sl_ref, tu_ref, tl_ref,
                out_ref):
    sl = sl_ref[...]
    su = su_ref[...]
    tl = tl_ref[...]
    tu = tu_ref[...]
    a0 = (sl[0] + tl[0])[None, :]
    da = (sl[1] + tl[1])[None, :] - a0
    b0 = ((su[0] - sl[0]) * (1.0 / (SU - SL)))[None, :]
    db = ((su[1] - sl[1]) * (1.0 / (SU - SL)))[None, :] - b0
    c0 = ((tu[0] - tl[0]) * (1.0 / (TU - TL)))[None, :]
    dc = ((tu[1] - tl[1]) * (1.0 / (TU - TL)))[None, :] - c0
    zz = jnp.zeros((2, D), jnp.float32)
    vtop = jnp.concatenate([a0, b0, c0, da, db, dc, zz],
                           axis=0).astype(jnp.bfloat16)

    g = pl.program_id(0)
    lens = lens_ref[...]
    blk = coef_ref[...]
    ones = jnp.ones((1, B), jnp.float32)
    zrow = jnp.zeros((2, B), jnp.float32)
    for t in range(PT):
        p = PT * g + t
        i = p // L
        j = p % L
        m = ((i < lens) & (j < lens)).astype(jnp.float32)
        dsr = blk[2 * t:2 * t + 1]
        dtr = blk[2 * t + 1:2 * t + 2]
        ct = jnp.concatenate(
            [ones, dsr, dtr, m, m * dsr, m * dtr, zrow], axis=0
        ).astype(jnp.bfloat16)
        out_ref[t] = lax.dot_general(
            vtop, ct, (((0,), (0,)), ((), ())),
            preferred_element_type=jnp.float32)


def _delta(lens, m800T, emb_su, emb_sl, emb_tu, emb_tl):
    grid = (L * L // PT,)
    small = pl.BlockSpec((2, D), lambda i: (0, 0))
    return pl.pallas_call(
        _delta_body,
        grid=grid,
        in_specs=[
            pl.BlockSpec((1, B), lambda i: (0, 0)),
            pl.BlockSpec((2 * PT, B), lambda i: (i, 0)),
            small, small, small, small,
        ],
        out_specs=pl.BlockSpec((PT, D, B), lambda i: (i, 0, 0)),
        out_shape=jax.ShapeDtypeStruct((L * L, D, B), jnp.float32),
    )(lens, m800T, emb_su, emb_sl, emb_tu, emb_tl)


def kernel(traj, mat, traj_len, emb_t, emb_l, emb_u, emb_su, emb_sl,
           emb_tu, emb_tl):
    emb_lu = _concat(emb_l.T, emb_u.T)
    idx_l = jnp.pad(traj[:, :, 1].T.reshape(NW, NCH, CHUNK),
                    ((0, 0), (0, 8 - NCH), (0, 0)))
    idx_u = jnp.pad(traj[:, :, 0].T.reshape(NW, NCH, CHUNK),
                    ((0, 0), (0, 8 - NCH), (0, 0)))
    g_l, g_u = _gather(emb_lu, idx_l, idx_u)

    tfT = ((traj[:, :, 2].T - 1) % HOURS + 1).reshape(L, 1, B)
    joint = _joint(tfT, g_l, g_u, emb_t).transpose(2, 0, 1)

    m800T = mat.transpose(1, 2, 3, 0).reshape(2 * L * L, B)
    delta_t = _delta(traj_len.reshape(1, B), m800T, emb_su, emb_sl,
                     emb_tu, emb_tl)
    delta = delta_t.reshape(L, L, D, B).transpose(3, 0, 1, 2)
    return (joint, delta)

# --- scband reference (transcript-rebuilt; emitter-appended) ---
"""Pipeline reference for scband-multi-embed-30520037606027 (READ-ONLY COPY).

The authoritative reference and input builder live on the scoring server;
editing this copy changes nothing except your own understanding.
"""

import jax, jax.numpy as jnp
import numpy as np

HOURS = 24 * 7
SU, SL, TU, TL = 1000.0, 0.0, 500.0, 0.0
B, L, D = 1024, 20, 64
V = 100000


def setup_inputs(seed: int = 0) -> dict:
    key = jax.random.key(seed)
    ks = jax.random.split(key, 10)
    traj = jax.random.randint(ks[0], (B, L, 3), 0, V, dtype=jnp.int32)
    mat = jax.random.uniform(ks[1], (B, L, L, 2), dtype=jnp.float32)
    traj_len = jax.random.randint(ks[2], (B,), 0, L, dtype=jnp.int32)
    emb_t = jax.random.normal(ks[3], (HOURS + 1, D), dtype=jnp.float32) * 0.02
    emb_l = jax.random.normal(ks[4], (V, D), dtype=jnp.float32) * 0.02
    emb_u = jax.random.normal(ks[5], (V, D), dtype=jnp.float32) * 0.02
    emb_su = jax.random.normal(ks[6], (2, D), dtype=jnp.float32) * 0.02
    emb_sl = jax.random.normal(ks[7], (2, D), dtype=jnp.float32) * 0.02
    emb_tu = jax.random.normal(ks[8], (2, D), dtype=jnp.float32) * 0.02
    emb_tl = jax.random.normal(ks[9], (2, D), dtype=jnp.float32) * 0.02
    return {"traj": traj, "mat": mat, "traj_len": traj_len,
            "emb_t": emb_t, "emb_l": emb_l, "emb_u": emb_u,
            "emb_su": emb_su, "emb_sl": emb_sl, "emb_tu": emb_tu, "emb_tl": emb_tl}


def reference(traj, mat, traj_len, emb_t, emb_l, emb_u, emb_su, emb_sl, emb_tu, emb_tl):
    # time channel remap: (t - 1) % hours + 1
    t_idx = (traj[:, :, 2] - 1) % HOURS + 1
    time = jnp.take(emb_t, t_idx, axis=0)
    loc = jnp.take(emb_l, traj[:, :, 1], axis=0)
    user = jnp.take(emb_u, traj[:, :, 0], axis=0)
    joint = time + loc + user

    delta_s = mat[:, :, :, 0]
    delta_t = mat[:, :, :, 1]

    # mask[i, 0:len_i, 0:len_i] = 1, vectorized
    ar = jnp.arange(L)
    valid = ar[None, :] < traj_len[:, None]  # [B, L]
    mask = (valid[:, :, None] & valid[:, None, :]).astype(jnp.int32)  # [B, L, L]

    esl = jnp.take(emb_sl, mask, axis=0)
    esu = jnp.take(emb_su, mask, axis=0)
    etl = jnp.take(emb_tl, mask, axis=0)
    etu = jnp.take(emb_tu, mask, axis=0)

    vsl = (delta_s - SL)[..., None]
    vsu = (SU - delta_s)[..., None]
    vtl = (delta_t - TL)[..., None]
    vtu = (TU - delta_t)[..., None]

    space_interval = (esl * vsu + esu * vsl) / (SU - SL)
    time_interval = (etl * vtu + etu * vtl) / (TU - TL)
    delta = space_interval + time_interval
    return (joint, delta)

if __name__ == "__main__":
    import jax
    _d = setup_inputs()
    print(jax.jit(kernel)(*tuple(_d.values())))

</pallas_src>

<mosaic_0001>
#map = affine_map<(d0, d1) -> (0, 0)>
#map1 = affine_map<(d0, d1) -> (0, 0, 0)>
module attributes {stable_mosaic.version = 14 : i64} {
  func.func @_gather_sc(%arg0: i32, %arg1: i32, %arg2: memref<100000x128xf32, #tpu.memory_space<hbm>>, %arg3: memref<32x8x128xi32, #tpu.memory_space<hbm>>, %arg4: memref<32x8x128xi32, #tpu.memory_space<hbm>>, %arg5: memref<20480x128xf32, #tpu.memory_space<hbm>>, %arg6: memref<20480x128xf32, #tpu.memory_space<hbm>>, %arg7: memref<8x128xi32, #tpu.memory_space<vmem>>, %arg8: memref<8x128xi32, #tpu.memory_space<vmem>>, %arg9: memref<3x128x128xf32, #tpu.memory_space<vmem>>, %arg10: memref<3x128x128xf32, #tpu.memory_space<vmem>>, %arg11: memref<!tpu.dma_semaphore, #tpu.memory_space<semaphore_mem>>, %arg12: memref<!tpu.dma_semaphore, #tpu.memory_space<semaphore_mem>>) attributes {dimension_semantics = [#tpu.dimension_semantics<core_parallel>, #tpu.dimension_semantics<subcore_parallel>], iteration_bounds = array<i64: 2, 16>, scalar_prefetch = 0 : i64, scratch_operands = 6 : i64, tpu.core_type = #tpu.core_type<sc_vector_subcore>, window_params = [{transform_indices = #map}, {transform_indices = #map1}, {transform_indices = #map1}, {transform_indices = #map}, {transform_indices = #map}]} {
    %mul3A = arith.constant 2 : i32
    %mul3A_0 = arith.muli %arg1, %mul3A : i32
    %add3A = arith.addi %mul3A_0, %arg0 : i32
    %mul3A_1 = arith.constant 640 : i32
    %mul3A_2 = arith.muli %add3A, %mul3A_1 : i32
    "tpu.region"() ({
      %run_scoped3A = tpu.sem_alloc : memref<!tpu.dma_semaphore, #tpu.memory_space<semaphore_mem>>
      %dma_start3A_521 = arith.constant 0 : i32
      %dma_start3A_522 = arith.constant 0 : i32
      %dma_start3A_523 = tpu.memref_slice %arg3[%add3A, %dma_start3A_521, %dma_start3A_522] : memref<32x8x128xi32, #tpu.memory_space<hbm>> -> memref<1x8x128xi32, #tpu.memory_space<hbm>>
      %dma_start3A_524 = tpu.memref_squeeze %dma_start3A_523 : memref<1x8x128xi32, #tpu.memory_space<hbm>> -> memref<8x128xi32, #tpu.memory_space<hbm>>
      %dma_start3A_525 = arith.constant 0 : i32
      %dma_start3A_526 = arith.constant 0 : i32
      %dma_start3A_527 = tpu.memref_slice %arg3[%add3A, %dma_start3A_525, %dma_start3A_526] : memref<32x8x128xi32, #tpu.memory_space<hbm>> -> memref<1x8x128xi32, #tpu.memory_space<hbm>>
      %dma_start3A_528 = tpu.memref_squeeze %dma_start3A_527 : memref<1x8x128xi32, #tpu.memory_space<hbm>> -> memref<8x128xi32, #tpu.memory_space<hbm>>
      tpu.enqueue_dma source(%dma_start3A_528 : memref<8x128xi32, #tpu.memory_space<hbm>>) target(%arg7 : memref<8x128xi32, #tpu.memory_space<vmem>>) target_semaphore(%run_scoped3A : memref<!tpu.dma_semaphore, #tpu.memory_space<semaphore_mem>>)
      %dma_wait3A_529 = arith.constant 0 : i32
      %dma_wait3A_530 = arith.constant 0 : i32
      %dma_wait3A_531 = tpu.memref_slice %arg3[%add3A, %dma_wait3A_529, %dma_wait3A_530] : memref<32x8x128xi32, #tpu.memory_space<hbm>> -> memref<1x8x128xi32, #tpu.memory_space<hbm>>
      %dma_wait3A_532 = tpu.memref_squeeze %dma_wait3A_531 : memref<1x8x128xi32, #tpu.memory_space<hbm>> -> memref<8x128xi32, #tpu.memory_space<hbm>>
      %dma_wait3A_533 = arith.constant 0 : i32
      %dma_wait3A_534 = arith.constant 0 : i32
      %dma_wait3A_535 = tpu.memref_slice %arg3[%add3A, %dma_wait3A_533, %dma_wait3A_534] : memref<32x8x128xi32, #tpu.memory_space<hbm>> -> memref<1x8x128xi32, #tpu.memory_space<hbm>>
      %dma_wait3A_536 = tpu.memref_squeeze %dma_wait3A_535 : memref<1x8x128xi32, #tpu.memory_space<hbm>> -> memref<8x128xi32, #tpu.memory_space<hbm>>
      tpu.wait_dma2 semaphore(%run_scoped3A : memref<!tpu.dma_semaphore, #tpu.memory_space<semaphore_mem>>) src(%dma_wait3A_536 : memref<8x128xi32, #tpu.memory_space<hbm>>) dst(%arg7 : memref<8x128xi32, #tpu.memory_space<vmem>>)
      tpu.yield
    }) : () -> ()
    "tpu.region"() ({
      %run_scoped3A = tpu.sem_alloc : memref<!tpu.dma_semaphore, #tpu.memory_space<semaphore_mem>>
      %dma_start3A_521 = arith.constant 0 : i32
      %dma_start3A_522 = arith.constant 0 : i32
      %dma_start3A_523 = tpu.memref_slice %arg4[%add3A, %dma_start3A_521, %dma_start3A_522] : memref<32x8x128xi32, #tpu.memory_space<hbm>> -> memref<1x8x128xi32, #tpu.memory_space<hbm>>
      %dma_start3A_524 = tpu.memref_squeeze %dma_start3A_523 : memref<1x8x128xi32, #tpu.memory_space<hbm>> -> memref<8x128xi32, #tpu.memory_space<hbm>>
      %dma_start3A_525 = arith.constant 0 : i32
      %dma_start3A_526 = arith.constant 0 : i32
      %dma_start3A_527 = tpu.memref_slice %arg4[%add3A, %dma_start3A_525, %dma_start3A_526] : memref<32x8x128xi32, #tpu.memory_space<hbm>> -> memref<1x8x128xi32, #tpu.memory_space<hbm>>
      %dma_start3A_528 = tpu.memref_squeeze %dma_start3A_527 : memref<1x8x128xi32, #tpu.memory_space<hbm>> -> memref<8x128xi32, #tpu.memory_space<hbm>>
      tpu.enqueue_dma source(%dma_start3A_528 : memref<8x128xi32, #tpu.memory_space<hbm>>) target(%arg8 : memref<8x128xi32, #tpu.memory_space<vmem>>) target_semaphore(%run_scoped3A : memref<!tpu.dma_semaphore, #tpu.memory_space<semaphore_mem>>)
      %dma_wait3A_529 = arith.constant 0 : i32
      %dma_wait3A_530 = arith.constant 0 : i32
      %dma_wait3A_531 = tpu.memref_slice %arg4[%add3A, %dma_wait3A_529, %dma_wait3A_530] : memref<32x8x128xi32, #tpu.memory_space<hbm>> -> memref<1x8x128xi32, #tpu.memory_space<hbm>>
      %dma_wait3A_532 = tpu.memref_squeeze %dma_wait3A_531 : memref<1x8x128xi32, #tpu.memory_space<hbm>> -> memref<8x128xi32, #tpu.memory_space<hbm>>
      %dma_wait3A_533 = arith.constant 0 : i32
      %dma_wait3A_534 = arith.constant 0 : i32
      %dma_wait3A_535 = tpu.memref_slice %arg4[%add3A, %dma_wait3A_533, %dma_wait3A_534] : memref<32x8x128xi32, #tpu.memory_space<hbm>> -> memref<1x8x128xi32, #tpu.memory_space<hbm>>
      %dma_wait3A_536 = tpu.memref_squeeze %dma_wait3A_535 : memref<1x8x128xi32, #tpu.memory_space<hbm>> -> memref<8x128xi32, #tpu.memory_space<hbm>>
      tpu.wait_dma2 semaphore(%run_scoped3A : memref<!tpu.dma_semaphore, #tpu.memory_space<semaphore_mem>>) src(%dma_wait3A_536 : memref<8x128xi32, #tpu.memory_space<hbm>>) dst(%arg8 : memref<8x128xi32, #tpu.memory_space<vmem>>)
      tpu.yield
    }) : () -> ()
    %dma_start3A = arith.constant 0 : i32
    %dma_start3A_3 = arith.constant 0 : i32
    %dma_start3A_4 = arith.constant 0 : i32
    %dma_start3A_5 = arith.constant 0 : i32
    %dma_start3A_6 = tpu.memref_slice %arg9[%dma_start3A_3, %dma_start3A_4, %dma_start3A_5] : memref<3x128x128xf32, #tpu.memory_space<vmem>> -> memref<1x128x128xf32, #tpu.memory_space<vmem>>
    %dma_start3A_7 = tpu.memref_squeeze %dma_start3A_6 : memref<1x128x128xf32, #tpu.memory_space<vmem>> -> memref<128x128xf32, #tpu.memory_space<vmem>>
    %dma_start3A_8 = arith.constant 0 : i32
    %dma_start3A_9 = tpu.memref_slice %arg7[%dma_start3A, %dma_start3A_8] : memref<8x128xi32, #tpu.memory_space<vmem>> -> memref<1x128xi32, #tpu.memory_space<vmem>>
    %dma_start3A_10 = tpu.memref_squeeze %dma_start3A_9 : memref<1x128xi32, #tpu.memory_space<vmem>> -> memref<128xi32, #tpu.memory_space<vmem>>
    %dma_start3A_11 = arith.constant 0 : i32
    %dma_start3A_12 = arith.constant 0 : i32
    %dma_start3A_13 = tpu.memref_slice %arg2[%dma_start3A_11, %dma_start3A_12] : memref<100000x128xf32, #tpu.memory_space<hbm>> -> memref<100000x128xf32, #tpu.memory_space<hbm>>
    tpu.enqueue_indirect_dma source(%dma_start3A_13 : memref<100000x128xf32, #tpu.memory_space<hbm>>) target(%dma_start3A_7 : memref<128x128xf32, #tpu.memory_space<vmem>>) offsets(%dma_start3A_10 : memref<128xi32, #tpu.memory_space<vmem>>) semaphore(%arg11 : memref<!tpu.dma_semaphore, #tpu.memory_space<semaphore_mem>>)
    %dma_start3A_14 = arith.constant 0 : i32
    %dma_start3A_15 = arith.constant 0 : i32
    %dma_start3A_16 = arith.constant 0 : i32
    %dma_start3A_17 = arith.constant 0 : i32
    %dma_start3A_18 = tpu.memref_slice %arg10[%dma_start3A_15, %dma_start3A_16, %dma_start3A_17] : memref<3x128x128xf32, #tpu.memory_space<vmem>> -> memref<1x128x128xf32, #tpu.memory_space<vmem>>
    %dma_start3A_19 = tpu.memref_squeeze %dma_start3A_18 : memref<1x128x128xf32, #tpu.memory_space<vmem>> -> memref<128x128xf32, #tpu.memory_space<vmem>>
    %dma_start3A_20 = arith.constant 0 : i32
    %dma_start3A_21 = tpu.memref_slice %arg8[%dma_start3A_14, %dma_start3A_20] : memref<8x128xi32, #tpu.memory_space<vmem>> -> memref<1x128xi32, #tpu.memory_space<vmem>>
    %dma_start3A_22 = tpu.memref_squeeze %dma_start3A_21 : memref<1x128xi32, #tpu.memory_space<vmem>> -> memref<128xi32, #tpu.memory_space<vmem>>
    %dma_start3A_23 = arith.constant 0 : i32
    %dma_start3A_24 = arith.constant 0 : i32
    %dma_start3A_25 = tpu.memref_slice %arg2[%dma_start3A_23, %dma_start3A_24] : memref<100000x128xf32, #tpu.memory_space<hbm>> -> memref<100000x128xf32, #tpu.memory_space<hbm>>
    tpu.enqueue_indirect_dma source(%dma_start3A_25 : memref<100000x128xf32, #tpu.memory_space<hbm>>) target(%dma_start3A_19 : memref<128x128xf32, #tpu.memory_space<vmem>>) offsets(%dma_start3A_22 : memref<128xi32, #tpu.memory_space<vmem>>) semaphore(%arg11 : memref<!tpu.dma_semaphore, #tpu.memory_space<semaphore_mem>>)
    %dma_start3A_26 = arith.constant 1 : i32
    %dma_start3A_27 = arith.constant 1 : i32
    %dma_start3A_28 = arith.constant 0 : i32
    %dma_start3A_29 = arith.constant 0 : i32
    %dma_start3A_30 = tpu.memref_slice %arg9[%dma_start3A_27, %dma_start3A_28, %dma_start3A_29] : memref<3x128x128xf32, #tpu.memory_space<vmem>> -> memref<1x128x128xf32, #tpu.memory_space<vmem>>
    %dma_start3A_31 = tpu.memref_squeeze %dma_start3A_30 : memref<1x128x128xf32, #tpu.memory_space<vmem>> -> memref<128x128xf32, #tpu.memory_space<vmem>>
    %dma_start3A_32 = arith.constant 0 : i32
    %dma_start3A_33 = tpu.memref_slice %arg7[%dma_start3A_26, %dma_start3A_32] : memref<8x128xi32, #tpu.memory_space<vmem>> -> memref<1x128xi32, #tpu.memory_space<vmem>>
    %dma_start3A_34 = tpu.memref_squeeze %dma_start3A_33 : memref<1x128xi32, #tpu.memory_space<vmem>> -> memref<128xi32, #tpu.memory_space<vmem>>
    %dma_start3A_35 = arith.constant 0 : i32
    %dma_start3A_36 = arith.constant 0 : i32
    %dma_start3A_37 = tpu.memref_slice %arg2[%dma_start3A_35, %dma_start3A_36] : memref<100000x128xf32, #tpu.memory_space<hbm>> -> memref<100000x128xf32, #tpu.memory_space<hbm>>
    tpu.enqueue_indirect_dma source(%dma_start3A_37 : memref<100000x128xf32, #tpu.memory_space<hbm>>) target(%dma_start3A_31 : memref<128x128xf32, #tpu.memory_space<vmem>>) offsets(%dma_start3A_34 : memref<128xi32, #tpu.memory_space<vmem>>) semaphore(%arg11 : memref<!tpu.dma_semaphore, #tpu.memory_space<semaphore_mem>>)
    %dma_start3A_38 = arith.constant 1 : i32
    %dma_start3A_39 = arith.constant 1 : i32
    %dma_start3A_40 = arith.constant 0 : i32
    %dma_start3A_41 = arith.constant 0 : i32
    %dma_start3A_42 = tpu.memref_slice %arg10[%dma_start3A_39, %dma_start3A_40, %dma_start3A_41] : memref<3x128x128xf32, #tpu.memory_space<vmem>> -> memref<1x128x128xf32, #tpu.memory_space<vmem>>
    %dma_start3A_43 = tpu.memref_squeeze %dma_start3A_42 : memref<1x128x128xf32, #tpu.memory_space<vmem>> -> memref<128x128xf32, #tpu.memory_space<vmem>>
    %dma_start3A_44 = arith.constant 0 : i32
    %dma_start3A_45 = tpu.memref_slice %arg8[%dma_start3A_38, %dma_start3A_44] : memref<8x128xi32, #tpu.memory_space<vmem>> -> memref<1x128xi32, #tpu.memory_space<vmem>>
    %dma_start3A_46 = tpu.memref_squeeze %dma_start3A_45 : memref<1x128xi32, #tpu.memory_space<vmem>> -> memref<128xi32, #tpu.memory_space<vmem>>
    %dma_start3A_47 = arith.constant 0 : i32
    %dma_start3A_48 = arith.constant 0 : i32
    %dma_start3A_49 = tpu.memref_slice %arg2[%dma_start3A_47, %dma_start3A_48] : memref<100000x128xf32, #tpu.memory_space<hbm>> -> memref<100000x128xf32, #tpu.memory_space<hbm>>
    tpu.enqueue_indirect_dma source(%dma_start3A_49 : memref<100000x128xf32, #tpu.memory_space<hbm>>) target(%dma_start3A_43 : memref<128x128xf32, #tpu.memory_space<vmem>>) offsets(%dma_start3A_46 : memref<128xi32, #tpu.memory_space<vmem>>) semaphore(%arg11 : memref<!tpu.dma_semaphore, #tpu.memory_space<semaphore_mem>>)
    %dma_start3A_50 = arith.constant 2 : i32
    %dma_start3A_51 = arith.constant 2 : i32
    %dma_start3A_52 = arith.constant 0 : i32
    %dma_start3A_53 = arith.constant 0 : i32
    %dma_start3A_54 = tpu.memref_slice %arg9[%dma_start3A_51, %dma_start3A_52, %dma_start3A_53] : memref<3x128x128xf32, #tpu.memory_space<vmem>> -> memref<1x128x128xf32, #tpu.memory_space<vmem>>
    %dma_start3A_55 = tpu.memref_squeeze %dma_start3A_54 : memref<1x128x128xf32, #tpu.memory_space<vmem>> -> memref<128x128xf32, #tpu.memory_space<vmem>>
    %dma_start3A_56 = arith.constant 0 : i32
    %dma_start3A_57 = tpu.memref_slice %arg7[%dma_start3A_50, %dma_start3A_56] : memref<8x128xi32, #tpu.memory_space<vmem>> -> memref<1x128xi32, #tpu.memory_space<vmem>>
    %dma_start3A_58 = tpu.memref_squeeze %dma_start3A_57 : memref<1x128xi32, #tpu.memory_space<vmem>> -> memref<128xi32, #tpu.memory_space<vmem>>
    %dma_start3A_59 = arith.constant 0 : i32
    %dma_start3A_60 = arith.constant 0 : i32
    %dma_start3A_61 = tpu.memref_slice %arg2[%dma_start3A_59, %dma_start3A_60] : memref<100000x128xf32, #tpu.memory_space<hbm>> -> memref<100000x128xf32, #tpu.memory_space<hbm>>
    tpu.enqueue_indirect_dma source(%dma_start3A_61 : memref<100000x128xf32, #tpu.memory_space<hbm>>) target(%dma_start3A_55 : memref<128x128xf32, #tpu.memory_space<vmem>>) offsets(%dma_start3A_58 : memref<128xi32, #tpu.memory_space<vmem>>) semaphore(%arg11 : memref<!tpu.dma_semaphore, #tpu.memory_space<semaphore_mem>>)
    %dma_start3A_62 = arith.constant 2 : i32
    %dma_start3A_63 = arith.constant 2 : i32
    %dma_start3A_64 = arith.constant 0 : i32
    %dma_start3A_65 = arith.constant 0 : i32
    %dma_start3A_66 = tpu.memref_slice %arg10[%dma_start3A_63, %dma_start3A_64, %dma_start3A_65] : memref<3x128x128xf32, #tpu.memory_space<vmem>> -> memref<1x128x128xf32, #tpu.memory_space<vmem>>
    %dma_start3A_67 = tpu.memref_squeeze %dma_start3A_66 : memref<1x128x128xf32, #tpu.memory_space<vmem>> -> memref<128x128xf32, #tpu.memory_space<vmem>>
    %dma_start3A_68 = arith.constant 0 : i32
    %dma_start3A_69 = tpu.memref_slice %arg8[%dma_start3A_62, %dma_start3A_68] : memref<8x128xi32, #tpu.memory_space<vmem>> -> memref<1x128xi32, #tpu.memory_space<vmem>>
    %dma_start3A_70 = tpu.memref_squeeze %dma_start3A_69 : memref<1x128xi32, #tpu.memory_space<vmem>> -> memref<128xi32, #tpu.memory_space<vmem>>
    %dma_start3A_71 = arith.constant 0 : i32
    %dma_start3A_72 = arith.constant 0 : i32
    %dma_start3A_73 = tpu.memref_slice %arg2[%dma_start3A_71, %dma_start3A_72] : memref<100000x128xf32, #tpu.memory_space<hbm>> -> memref<100000x128xf32, #tpu.memory_space<hbm>>
    tpu.enqueue_indirect_dma source(%dma_start3A_73 : memref<100000x128xf32, #tpu.memory_space<hbm>>) target(%dma_start3A_67 : memref<128x128xf32, #tpu.memory_space<vmem>>) offsets(%dma_start3A_70 : memref<128xi32, #tpu.memory_space<vmem>>) semaphore(%arg11 : memref<!tpu.dma_semaphore, #tpu.memory_space<semaphore_mem>>)
    %dma_wait3A = arith.constant 0 : i32
    %dma_wait3A_74 = arith.constant 0 : i32
    %dma_wait3A_75 = arith.constant 0 : i32
    %dma_wait3A_76 = arith.constant 0 : i32
    %dma_wait3A_77 = tpu.memref_slice %arg9[%dma_wait3A_74, %dma_wait3A_75, %dma_wait3A_76] : memref<3x128x128xf32, #tpu.memory_space<vmem>> -> memref<1x128x128xf32, #tpu.memory_space<vmem>>
    %dma_wait3A_78 = tpu.memref_squeeze %dma_wait3A_77 : memref<1x128x128xf32, #tpu.memory_space<vmem>> -> memref<128x128xf32, #tpu.memory_space<vmem>>
    %dma_wait3A_79 = arith.constant 0 : i32
    %dma_wait3A_80 = tpu.memref_slice %arg7[%dma_wait3A, %dma_wait3A_79] : memref<8x128xi32, #tpu.memory_space<vmem>> -> memref<1x128xi32, #tpu.memory_space<vmem>>
    %dma_wait3A_81 = tpu.memref_squeeze %dma_wait3A_80 : memref<1x128xi32, #tpu.memory_space<vmem>> -> memref<128xi32, #tpu.memory_space<vmem>>
    %dma_wait3A_82 = arith.constant 0 : i32
    %dma_wait3A_83 = arith.constant 0 : i32
    %dma_wait3A_84 = tpu.memref_slice %arg2[%dma_wait3A_82, %dma_wait3A_83] : memref<100000x128xf32, #tpu.memory_space<hbm>> -> memref<100000x128xf32, #tpu.memory_space<hbm>>
    tpu.wait_indirect_dma semaphore(%arg11 : memref<!tpu.dma_semaphore, #tpu.memory_space<semaphore_mem>>) src(%dma_wait3A_84 : memref<100000x128xf32, #tpu.memory_space<hbm>>) dst(%dma_wait3A_78 : memref<128x128xf32, #tpu.memory_space<vmem>>)
    %dma_wait3A_85 = arith.constant 0 : i32
    %dma_wait3A_86 = arith.constant 0 : i32
    %dma_wait3A_87 = arith.constant 0 : i32
    %dma_wait3A_88 = arith.constant 0 : i32
    %dma_wait3A_89 = tpu.memref_slice %arg10[%dma_wait3A_86, %dma_wait3A_87, %dma_wait3A_88] : memref<3x128x128xf32, #tpu.memory_space<vmem>> -> memref<1x128x128xf32, #tpu.memory_space<vmem>>
    %dma_wait3A_90 = tpu.memref_squeeze %dma_wait3A_89 : memref<1x128x128xf32, #tpu.memory_space<vmem>> -> memref<128x128xf32, #tpu.memory_space<vmem>>
    %dma_wait3A_91 = arith.constant 0 : i32
    %dma_wait3A_92 = tpu.memref_slice %arg8[%dma_wait3A_85, %dma_wait3A_91] : memref<8x128xi32, #tpu.memory_space<vmem>> -> memref<1x128xi32, #tpu.memory_space<vmem>>
    %dma_wait3A_93 = tpu.memref_squeeze %dma_wait3A_92 : memref<1x128xi32, #tpu.memory_space<vmem>> -> memref<128xi32, #tpu.memory_space<vmem>>
    %dma_wait3A_94 = arith.constant 0 : i32
    %dma_wait3A_95 = arith.constant 0 : i32
    %dma_wait3A_96 = tpu.memref_slice %arg2[%dma_wait3A_94, %dma_wait3A_95] : memref<100000x128xf32, #tpu.memory_space<hbm>> -> memref<100000x128xf32, #tpu.memory_space<hbm>>
    tpu.wait_indirect_dma semaphore(%arg11 : memref<!tpu.dma_semaphore, #tpu.memory_space<semaphore_mem>>) src(%dma_wait3A_96 : memref<100000x128xf32, #tpu.memory_space<hbm>>) dst(%dma_wait3A_90 : memref<128x128xf32, #tpu.memory_space<vmem>>)
    %add3A_97 = arith.constant 0 : i32
    %add3A_98 = arith.addi %mul3A_2, %add3A_97 : i32
    %dma_start3A_99 = arith.constant 0 : i32
    %dma_start3A_100 = arith.constant 0 : i32
    %dma_start3A_101 = arith.constant 0 : i32
    %dma_start3A_102 = tpu.memref_slice %arg9[%dma_start3A_99, %dma_start3A_100, %dma_start3A_101] : memref<3x128x128xf32, #tpu.memory_space<vmem>> -> memref<1x128x128xf32, #tpu.memory_space<vmem>>
    %dma_start3A_103 = tpu.memref_squeeze %dma_start3A_102 : memref<1x128x128xf32, #tpu.memory_space<vmem>> -> memref<128x128xf32, #tpu.memory_space<vmem>>
    %dma_start3A_104 = arith.constant 0 : i32
    %dma_start3A_105 = tpu.memref_slice %arg5[%add3A_98, %dma_start3A_104] : memref<20480x128xf32, #tpu.memory_space<hbm>> -> memref<128x128xf32, #tpu.memory_space<hbm>>
    %dma_start3A_106 = arith.constant 0 : i32
    %dma_start3A_107 = tpu.memref_slice %arg5[%add3A_98, %dma_start3A_106] : memref<20480x128xf32, #tpu.memory_space<hbm>> -> memref<128x128xf32, #tpu.memory_space<hbm>>
    %dma_start3A_108 = arith.constant 0 : i32
    %dma_start3A_109 = arith.constant 0 : i32
    %dma_start3A_110 = tpu.memref_slice %arg9[%dma_start3A_99, %dma_start3A_108, %dma_start3A_109] : memref<3x128x128xf32, #tpu.memory_space<vmem>> -> memref<1x128x128xf32, #tpu.memory_space<vmem>>
    %dma_start3A_111 = tpu.memref_squeeze %dma_start3A_110 : memref<1x128x128xf32, #tpu.memory_space<vmem>> -> memref<128x128xf32, #tpu.memory_space<vmem>>
    tpu.enqueue_dma source(%dma_start3A_111 : memref<128x128xf32, #tpu.memory_space<vmem>>) target(%dma_start3A_107 : memref<128x128xf32, #tpu.memory_space<hbm>>) target_semaphore(%arg12 : memref<!tpu.dma_semaphore, #tpu.memory_space<semaphore_mem>>)
    %dma_start3A_112 = arith.constant 0 : i32
    %dma_start3A_113 = arith.constant 0 : i32
    %dma_start3A_114 = arith.constant 0 : i32
    %dma_start3A_115 = tpu.memref_slice %arg10[%dma_start3A_112, %dma_start3A_113, %dma_start3A_114] : memref<3x128x128xf32, #tpu.memory_space<vmem>> -> memref<1x128x128xf32, #tpu.memory_space<vmem>>
    %dma_start3A_116 = tpu.memref_squeeze %dma_start3A_115 : memref<1x128x128xf32, #tpu.memory_space<vmem>> -> memref<128x128xf32, #tpu.memory_space<vmem>>
    %dma_start3A_117 = arith.constant 0 : i32
    %dma_start3A_118 = tpu.memref_slice %arg6[%add3A_98, %dma_start3A_117] : memref<20480x128xf32, #tpu.memory_space<hbm>> -> memref<128x128xf32, #tpu.memory_space<hbm>>
    %dma_start3A_119 = arith.constant 0 : i32
    %dma_start3A_120 = tpu.memref_slice %arg6[%add3A_98, %dma_start3A_119] : memref<20480x128xf32, #tpu.memory_space<hbm>> -> memref<128x128xf32, #tpu.memory_space<hbm>>
    %dma_start3A_121 = arith.constant 0 : i32
    %dma_start3A_122 = arith.constant 0 : i32
    %dma_start3A_123 = tpu.memref_slice %arg10[%dma_start3A_112, %dma_start3A_121, %dma_start3A_122] : memref<3x128x128xf32, #tpu.memory_space<vmem>> -> memref<1x128x128xf32, #tpu.memory_space<vmem>>
    %dma_start3A_124 = tpu.memref_squeeze %dma_start3A_123 : memref<1x128x128xf32, #tpu.memory_space<vmem>> -> memref<128x128xf32, #tpu.memory_space<vmem>>
    tpu.enqueue_dma source(%dma_start3A_124 : memref<128x128xf32, #tpu.memory_space<vmem>>) target(%dma_start3A_120 : memref<128x128xf32, #tpu.memory_space<hbm>>) target_semaphore(%arg12 : memref<!tpu.dma_semaphore, #tpu.memory_space<semaphore_mem>>)
    %add3A_125 = arith.constant 0 : i32
    %add3A_126 = arith.addi %mul3A_2, %add3A_125 : i32
    %dma_wait3A_127 = arith.constant 0 : i32
    %dma_wait3A_128 = arith.constant 0 : i32
    %dma_wait3A_129 = arith.constant 0 : i32
    %dma_wait3A_130 = tpu.memref_slice %arg9[%dma_wait3A_127, %dma_wait3A_128, %dma_wait3A_129] : memref<3x128x128xf32, #tpu.memory_space<vmem>> -> memref<1x128x128xf32, #tpu.memory_space<vmem>>
    %dma_wait3A_131 = tpu.memref_squeeze %dma_wait3A_130 : memref<1x128x128xf32, #tpu.memory_space<vmem>> -> memref<128x128xf32, #tpu.memory_space<vmem>>
    %dma_wait3A_132 = arith.constant 0 : i32
    %dma_wait3A_133 = tpu.memref_slice %arg5[%add3A_126, %dma_wait3A_132] : memref<20480x128xf32, #tpu.memory_space<hbm>> -> memref<128x128xf32, #tpu.memory_space<hbm>>
    %dma_wait3A_134 = arith.constant 0 : i32
    %dma_wait3A_135 = tpu.memref_slice %arg5[%add3A_126, %dma_wait3A_134] : memref<20480x128xf32, #tpu.memory_space<hbm>> -> memref<128x128xf32, #tpu.memory_space<hbm>>
    %dma_wait3A_136 = arith.constant 0 : i32
    %dma_wait3A_137 = arith.constant 0 : i32
    %dma_wait3A_138 = tpu.memref_slice %arg9[%dma_wait3A_127, %dma_wait3A_136, %dma_wait3A_137] : memref<3x128x128xf32, #tpu.memory_space<vmem>> -> memref<1x128x128xf32, #tpu.memory_space<vmem>>
    %dma_wait3A_139 = tpu.memref_squeeze %dma_wait3A_138 : memref<1x128x128xf32, #tpu.memory_space<vmem>> -> memref<128x128xf32, #tpu.memory_space<vmem>>
    tpu.wait_dma2 semaphore(%arg12 : memref<!tpu.dma_semaphore, #tpu.memory_space<semaphore_mem>>) src(%dma_wait3A_139 : memref<128x128xf32, #tpu.memory_space<vmem>>) dst(%dma_wait3A_135 : memref<128x128xf32, #tpu.memory_space<hbm>>)
    %dma_wait3A_140 = arith.constant 0 : i32
    %dma_wait3A_141 = arith.constant 0 : i32
    %dma_wait3A_142 = arith.constant 0 : i32
    %dma_wait3A_143 = tpu.memref_slice %arg10[%dma_wait3A_140, %dma_wait3A_141, %dma_wait3A_142] : memref<3x128x128xf32, #tpu.memory_space<vmem>> -> memref<1x128x128xf32, #tpu.memory_space<vmem>>
    %dma_wait3A_144 = tpu.memref_squeeze %dma_wait3A_143 : memref<1x128x128xf32, #tpu.memory_space<vmem>> -> memref<128x128xf32, #tpu.memory_space<vmem>>
    %dma_wait3A_145 = arith.constant 0 : i32
    %dma_wait3A_146 = tpu.memref_slice %arg6[%add3A_126, %dma_wait3A_145] : memref<20480x128xf32, #tpu.memory_space<hbm>> -> memref<128x128xf32, #tpu.memory_space<hbm>>
    %dma_wait3A_147 = arith.constant 0 : i32
    %dma_wait3A_148 = tpu.memref_slice %arg6[%add3A_126, %dma_wait3A_147] : memref<20480x128xf32, #tpu.memory_space<hbm>> -> memref<128x128xf32, #tpu.memory_space<hbm>>
    %dma_wait3A_149 = arith.constant 0 : i32
    %dma_wait3A_150 = arith.constant 0 : i32
    %dma_wait3A_151 = tpu.memref_slice %arg10[%dma_wait3A_140, %dma_wait3A_149, %dma_wait3A_150] : memref<3x128x128xf32, #tpu.memory_space<vmem>> -> memref<1x128x128xf32, #tpu.memory_space<vmem>>
    %dma_wait3A_152 = tpu.memref_squeeze %dma_wait3A_151 : memref<1x128x128xf32, #tpu.memory_space<vmem>> -> memref<128x128xf32, #tpu.memory_space<vmem>>
    tpu.wait_dma2 semaphore(%arg12 : memref<!tpu.dma_semaphore, #tpu.memory_space<semaphore_mem>>) src(%dma_wait3A_152 : memref<128x128xf32, #tpu.memory_space<vmem>>) dst(%dma_wait3A_148 : memref<128x128xf32, #tpu.memory_space<hbm>>)
    %dma_start3A_153 = arith.constant 3 : i32
    %dma_start3A_154 = arith.constant 0 : i32
    %dma_start3A_155 = arith.constant 0 : i32
    %dma_start3A_156 = arith.constant 0 : i32
    %dma_start3A_157 = tpu.memref_slice %arg9[%dma_start3A_154, %dma_start3A_155, %dma_start3A_156] : memref<3x128x128xf32, #tpu.memory_space<vmem>> -> memref<1x128x128xf32, #tpu.memory_space<vmem>>
    %dma_start3A_158 = tpu.memref_squeeze %dma_start3A_157 : memref<1x128x128xf32, #tpu.memory_space<vmem>> -> memref<128x128xf32, #tpu.memory_space<vmem>>
    %dma_start3A_159 = arith.constant 0 : i32
    %dma_start3A_160 = tpu.memref_slice %arg7[%dma_start3A_153, %dma_start3A_159] : memref<8x128xi32, #tpu.memory_space<vmem>> -> memref<1x128xi32, #tpu.memory_space<vmem>>
    %dma_start3A_161 = tpu.memref_squeeze %dma_start3A_160 : memref<1x128xi32, #tpu.memory_space<vmem>> -> memref<128xi32, #tpu.memory_space<vmem>>
    %dma_start3A_162 = arith.constant 0 : i32
    %dma_start3A_163 = arith.constant 0 : i32
    %dma_start3A_164 = tpu.memref_slice %arg2[%dma_start3A_162, %dma_start3A_163] : memref<100000x128xf32, #tpu.memory_space<hbm>> -> memref<100000x128xf32, #tpu.memory_space<hbm>>
    tpu.enqueue_indirect_dma source(%dma_start3A_164 : memref<100000x128xf32, #tpu.memory_space<hbm>>) target(%dma_start3A_158 : memref<128x128xf32, #tpu.memory_space<vmem>>) offsets(%dma_start3A_161 : memref<128xi32, #tpu.memory_space<vmem>>) semaphore(%arg11 : memref<!tpu.dma_semaphore, #tpu.memory_space<semaphore_mem>>)
    %dma_start3A_165 = arith.constant 3 : i32
    %dma_start3A_166 = arith.constant 0 : i32
    %dma_start3A_167 = arith.constant 0 : i32
    %dma_start3A_168 = arith.constant 0 : i32
    %dma_start3A_169 = tpu.memref_slice %arg10[%dma_start3A_166, %dma_start3A_167, %dma_start3A_168] : memref<3x128x128xf32, #tpu.memory_space<vmem>> -> memref<1x128x128xf32, #tpu.memory_space<vmem>>
    %dma_start3A_170 = tpu.memref_squeeze %dma_start3A_169 : memref<1x128x128xf32, #tpu.memory_space<vmem>> -> memref<128x128xf32, #tpu.memory_space<vmem>>
    %dma_start3A_171 = arith.constant 0 : i32
    %dma_start3A_172 = tpu.memref_slice %arg8[%dma_start3A_165, %dma_start3A_171] : memref<8x128xi32, #tpu.memory_space<vmem>> -> memref<1x128xi32, #tpu.memory_space<vmem>>
    %dma_start3A_173 = tpu.memref_squeeze %dma_start3A_172 : memref<1x128xi32, #tpu.memory_space<vmem>> -> memref<128xi32, #tpu.memory_space<vmem>>
    %dma_start3A_174 = arith.constant 0 : i32
    %dma_start3A_175 = arith.constant 0 : i32
    %dma_start3A_176 = tpu.memref_slice %arg2[%dma_start3A_174, %dma_start3A_175] : memref<100000x128xf32, #tpu.memory_space<hbm>> -> memref<100000x128xf32, #tpu.memory_space<hbm>>
    tpu.enqueue_indirect_dma source(%dma_start3A_176 : memref<100000x128xf32, #tpu.memory_space<hbm>>) target(%dma_start3A_170 : memref<128x128xf32, #tpu.memory_space<vmem>>) offsets(%dma_start3A_173 : memref<128xi32, #tpu.memory_space<vmem>>) semaphore(%arg11 : memref<!tpu.dma_semaphore, #tpu.memory_space<semaphore_mem>>)
    %dma_wait3A_177 = arith.constant 1 : i32
    %dma_wait3A_178 = arith.constant 1 : i32
    %dma_wait3A_179 = arith.constant 0 : i32
    %dma_wait3A_180 = arith.constant 0 : i32
    %dma_wait3A_181 = tpu.memref_slice %arg9[%dma_wait3A_178, %dma_wait3A_179, %dma_wait3A_180] : memref<3x128x128xf32, #tpu.memory_space<vmem>> -> memref<1x128x128xf32, #tpu.memory_space<vmem>>
    %dma_wait3A_182 = tpu.memref_squeeze %dma_wait3A_181 : memref<1x128x128xf32, #tpu.memory_space<vmem>> -> memref<128x128xf32, #tpu.memory_space<vmem>>
    %dma_wait3A_183 = arith.constant 0 : i32
    %dma_wait3A_184 = tpu.memref_slice %arg7[%dma_wait3A_177, %dma_wait3A_183] : memref<8x128xi32, #tpu.memory_space<vmem>> -> memref<1x128xi32, #tpu.memory_space<vmem>>
    %dma_wait3A_185 = tpu.memref_squeeze %dma_wait3A_184 : memref<1x128xi32, #tpu.memory_space<vmem>> -> memref<128xi32, #tpu.memory_space<vmem>>
    %dma_wait3A_186 = arith.constant 0 : i32
    %dma_wait3A_187 = arith.constant 0 : i32
    %dma_wait3A_188 = tpu.memref_slice %arg2[%dma_wait3A_186, %dma_wait3A_187] : memref<100000x128xf32, #tpu.memory_space<hbm>> -> memref<100000x128xf32, #tpu.memory_space<hbm>>
    tpu.wait_indirect_dma semaphore(%arg11 : memref<!tpu.dma_semaphore, #tpu.memory_space<semaphore_mem>>) src(%dma_wait3A_188 : memref<100000x128xf32, #tpu.memory_space<hbm>>) dst(%dma_wait3A_182 : memref<128x128xf32, #tpu.memory_space<vmem>>)
    %dma_wait3A_189 = arith.constant 1 : i32
    %dma_wait3A_190 = arith.constant 1 : i32
    %dma_wait3A_191 = arith.constant 0 : i32
    %dma_wait3A_192 = arith.constant 0 : i32
    %dma_wait3A_193 = tpu.memref_slice %arg10[%dma_wait3A_190, %dma_wait3A_191, %dma_wait3A_192] : memref<3x128x128xf32, #tpu.memory_space<vmem>> -> memref<1x128x128xf32, #tpu.memory_space<vmem>>
    %dma_wait3A_194 = tpu.memref_squeeze %dma_wait3A_193 : memref<1x128x128xf32, #tpu.memory_space<vmem>> -> memref<128x128xf32, #tpu.memory_space<vmem>>
    %dma_wait3A_195 = arith.constant 0 : i32
    %dma_wait3A_196 = tpu.memref_slice %arg8[%dma_wait3A_189, %dma_wait3A_195] : memref<8x128xi32, #tpu.memory_space<vmem>> -> memref<1x128xi32, #tpu.memory_space<vmem>>
    %dma_wait3A_197 = tpu.memref_squeeze %dma_wait3A_196 : memref<1x128xi32, #tpu.memory_space<vmem>> -> memref<128xi32, #tpu.memory_space<vmem>>
    %dma_wait3A_198 = arith.constant 0 : i32
    %dma_wait3A_199 = arith.constant 0 : i32
    %dma_wait3A_200 = tpu.memref_slice %arg2[%dma_wait3A_198, %dma_wait3A_199] : memref<100000x128xf32, #tpu.memory_space<hbm>> -> memref<100000x128xf32, #tpu.memory_space<hbm>>
    tpu.wait_indirect_dma semaphore(%arg11 : memref<!tpu.dma_semaphore, #tpu.memory_space<semaphore_mem>>) src(%dma_wait3A_200 : memref<100000x128xf32, #tpu.memory_space<hbm>>) dst(%dma_wait3A_194 : memref<128x128xf32, #tpu.memory_space<vmem>>)
    %add3A_201 = arith.constant 128 : i32
    %add3A_202 = arith.addi %mul3A_2, %add3A_201 : i32
    %dma_start3A_203 = arith.constant 1 : i32
    %dma_start3A_204 = arith.constant 0 : i32
    %dma_start3A_205 = arith.constant 0 : i32
    %dma_start3A_206 = tpu.memref_slice %arg9[%dma_start3A_203, %dma_start3A_204, %dma_start3A_205] : memref<3x128x128xf32, #tpu.memory_space<vmem>> -> memref<1x128x128xf32, #tpu.memory_space<vmem>>
    %dma_start3A_207 = tpu.memref_squeeze %dma_start3A_206 : memref<1x128x128xf32, #tpu.memory_space<vmem>> -> memref<128x128xf32, #tpu.memory_space<vmem>>
    %dma_start3A_208 = arith.constant 0 : i32
    %dma_start3A_209 = tpu.memref_slice %arg5[%add3A_202, %dma_start3A_208] : memref<20480x128xf32, #tpu.memory_space<hbm>> -> memref<128x128xf32, #tpu.memory_space<hbm>>
    %dma_start3A_210 = arith.constant 0 : i32
    %dma_start3A_211 = tpu.memref_slice %arg5[%add3A_202, %dma_start3A_210] : memref<20480x128xf32, #tpu.memory_space<hbm>> -> memref<128x128xf32, #tpu.memory_space<hbm>>
    %dma_start3A_212 = arith.constant 0 : i32
    %dma_start3A_213 = arith.constant 0 : i32
    %dma_start3A_214 = tpu.memref_slice %arg9[%dma_start3A_203, %dma_start3A_212, %dma_start3A_213] : memref<3x128x128xf32, #tpu.memory_space<vmem>> -> memref<1x128x128xf32, #tpu.memory_space<vmem>>
    %dma_start3A_215 = tpu.memref_squeeze %dma_start3A_214 : memref<1x128x128xf32, #tpu.memory_space<vmem>> -> memref<128x128xf32, #tpu.memory_space<vmem>>
    tpu.enqueue_dma source(%dma_start3A_215 : memref<128x128xf32, #tpu.memory_space<vmem>>) target(%dma_start3A_211 : memref<128x128xf32, #tpu.memory_space<hbm>>) target_semaphore(%arg12 : memref<!tpu.dma_semaphore, #tpu.memory_space<semaphore_mem>>)
    %dma_start3A_216 = arith.constant 1 : i32
    %dma_start3A_217 = arith.constant 0 : i32
    %dma_start3A_218 = arith.constant 0 : i32
    %dma_start3A_219 = tpu.memref_slice %arg10[%dma_start3A_216, %dma_start3A_217, %dma_start3A_218] : memref<3x128x128xf32, #tpu.memory_space<vmem>> -> memref<1x128x128xf32, #tpu.memory_space<vmem>>
    %dma_start3A_220 = tpu.memref_squeeze %dma_start3A_219 : memref<1x128x128xf32, #tpu.memory_space<vmem>> -> memref<128x128xf32, #tpu.memory_space<vmem>>
    %dma_start3A_221 = arith.constant 0 : i32
    %dma_start3A_222 = tpu.memref_slice %arg6[%add3A_202, %dma_start3A_221] : memref<20480x128xf32, #tpu.memory_space<hbm>> -> memref<128x128xf32, #tpu.memory_space<hbm>>
    %dma_start3A_223 = arith.constant 0 : i32
    %dma_start3A_224 = tpu.memref_slice %arg6[%add3A_202, %dma_start3A_223] : memref<20480x128xf32, #tpu.memory_space<hbm>> -> memref<128x128xf32, #tpu.memory_space<hbm>>
    %dma_start3A_225 = arith.constant 0 : i32
    %dma_start3A_226 = arith.constant 0 : i32
    %dma_start3A_227 = tpu.memref_slice %arg10[%dma_start3A_216, %dma_start3A_225, %dma_start3A_226] : memref<3x128x128xf32, #tpu.memory_space<vmem>> -> memref<1x128x128xf32, #tpu.memory_space<vmem>>
    %dma_start3A_228 = tpu.memref_squeeze %dma_start3A_227 : memref<1x128x128xf32, #tpu.memory_space<vmem>> -> memref<128x128xf32, #tpu.memory_space<vmem>>
    tpu.enqueue_dma source(%dma_start3A_228 : memref<128x128xf32, #tpu.memory_space<vmem>>) target(%dma_start3A_224 : memref<128x128xf32, #tpu.memory_space<hbm>>) target_semaphore(%arg12 : memref<!tpu.dma_semaphore, #tpu.memory_space<semaphore_mem>>)
    %add3A_229 = arith.constant 128 : i32
    %add3A_230 = arith.addi %mul3A_2, %add3A_229 : i32
    %dma_wait3A_231 = arith.constant 1 : i32
    %dma_wait3A_232 = arith.constant 0 : i32
    %dma_wait3A_233 = arith.constant 0 : i32
    %dma_wait3A_234 = tpu.memref_slice %arg9[%dma_wait3A_231, %dma_wait3A_232, %dma_wait3A_233] : memref<3x128x128xf32, #tpu.memory_space<vmem>> -> memref<1x128x128xf32, #tpu.memory_space<vmem>>
    %dma_wait3A_235 = tpu.memref_squeeze %dma_wait3A_234 : memref<1x128x128xf32, #tpu.memory_space<vmem>> -> memref<128x128xf32, #tpu.memory_space<vmem>>
    %dma_wait3A_236 = arith.constant 0 : i32
    %dma_wait3A_237 = tpu.memref_slice %arg5[%add3A_230, %dma_wait3A_236] : memref<20480x128xf32, #tpu.memory_space<hbm>> -> memref<128x128xf32, #tpu.memory_space<hbm>>
    %dma_wait3A_238 = arith.constant 0 : i32
    %dma_wait3A_239 = tpu.memref_slice %arg5[%add3A_230, %dma_wait3A_238] : memref<20480x128xf32, #tpu.memory_space<hbm>> -> memref<128x128xf32, #tpu.memory_space<hbm>>
    %dma_wait3A_240 = arith.constant 0 : i32
    %dma_wait3A_241 = arith.constant 0 : i32
    %dma_wait3A_242 = tpu.memref_slice %arg9[%dma_wait3A_231, %dma_wait3A_240, %dma_wait3A_241] : memref<3x128x128xf32, #tpu.memory_space<vmem>> -> memref<1x128x128xf32, #tpu.memory_space<vmem>>
    %dma_wait3A_243 = tpu.memref_squeeze %dma_wait3A_242 : memref<1x128x128xf32, #tpu.memory_space<vmem>> -> memref<128x128xf32, #tpu.memory_space<vmem>>
    tpu.wait_dma2 semaphore(%arg12 : memref<!tpu.dma_semaphore, #tpu.memory_space<semaphore_mem>>) src(%dma_wait3A_243 : memref<128x128xf32, #tpu.memory_space<vmem>>) dst(%dma_wait3A_239 : memref<128x128xf32, #tpu.memory_space<hbm>>)
    %dma_wait3A_244 = arith.constant 1 : i32
    %dma_wait3A_245 = arith.constant 0 : i32
    %dma_wait3A_246 = arith.constant 0 : i32
    %dma_wait3A_247 = tpu.memref_slice %arg10[%dma_wait3A_244, %dma_wait3A_245, %dma_wait3A_246] : memref<3x128x128xf32, #tpu.memory_space<vmem>> -> memref<1x128x128xf32, #tpu.memory_space<vmem>>
    %dma_wait3A_248 = tpu.memref_squeeze %dma_wait3A_247 : memref<1x128x128xf32, #tpu.memory_space<vmem>> -> memref<128x128xf32, #tpu.memory_space<vmem>>
    %dma_wait3A_249 = arith.constant 0 : i32
    %dma_wait3A_250 = tpu.memref_slice %arg6[%add3A_230, %dma_wait3A_249] : memref<20480x128xf32, #tpu.memory_space<hbm>> -> memref<128x128xf32, #tpu.memory_space<hbm>>
    %dma_wait3A_251 = arith.constant 0 : i32
    %dma_wait3A_252 = tpu.memref_slice %arg6[%add3A_230, %dma_wait3A_251] : memref<20480x128xf32, #tpu.memory_space<hbm>> -> memref<128x128xf32, #tpu.memory_space<hbm>>
    %dma_wait3A_253 = arith.constant 0 : i32
    %dma_wait3A_254 = arith.constant 0 : i32
    %dma_wait3A_255 = tpu.memref_slice %arg10[%dma_wait3A_244, %dma_wait3A_253, %dma_wait3A_254] : memref<3x128x128xf32, #tpu.memory_space<vmem>> -> memref<1x128x128xf32, #tpu.memory_space<vmem>>
    %dma_wait3A_256 = tpu.memref_squeeze %dma_wait3A_255 : memref<1x128x128xf32, #tpu.memory_space<vmem>> -> memref<128x128xf32, #tpu.memory_space<vmem>>
    tpu.wait_dma2 semaphore(%arg12 : memref<!tpu.dma_semaphore, #tpu.memory_space<semaphore_mem>>) src(%dma_wait3A_256 : memref<128x128xf32, #tpu.memory_space<vmem>>) dst(%dma_wait3A_252 : memref<128x128xf32, #tpu.memory_space<hbm>>)
    %dma_start3A_257 = arith.constant 4 : i32
    %dma_start3A_258 = arith.constant 1 : i32
    %dma_start3A_259 = arith.constant 0 : i32
    %dma_start3A_260 = arith.constant 0 : i32
    %dma_start3A_261 = tpu.memref_slice %arg9[%dma_start3A_258, %dma_start3A_259, %dma_start3A_260] : memref<3x128x128xf32, #tpu.memory_space<vmem>> -> memref<1x128x128xf32, #tpu.memory_space<vmem>>
    %dma_start3A_262 = tpu.memref_squeeze %dma_start3A_261 : memref<1x128x128xf32, #tpu.memory_space<vmem>> -> memref<128x128xf32, #tpu.memory_space<vmem>>
    %dma_start3A_263 = arith.constant 0 : i32
    %dma_start3A_264 = tpu.memref_slice %arg7[%dma_start3A_257, %dma_start3A_263] : memref<8x128xi32, #tpu.memory_space<vmem>> -> memref<1x128xi32, #tpu.memory_space<vmem>>
    %dma_start3A_265 = tpu.memref_squeeze %dma_start3A_264 : memref<1x128xi32, #tpu.memory_space<vmem>> -> memref<128xi32, #tpu.memory_space<vmem>>
    %dma_start3A_266 = arith.constant 0 : i32
    %dma_start3A_267 = arith.constant 0 : i32
    %dma_start3A_268 = tpu.memref_slice %arg2[%dma_start3A_266, %dma_start3A_267] : memref<100000x128xf32, #tpu.memory_space<hbm>> -> memref<100000x128xf32, #tpu.memory_space<hbm>>
    tpu.enqueue_indirect_dma source(%dma_start3A_268 : memref<100000x128xf32, #tpu.memory_space<hbm>>) target(%dma_start3A_262 : memref<128x128xf32, #tpu.memory_space<vmem>>) offsets(%dma_start3A_265 : memref<128xi32, #tpu.memory_space<vmem>>) semaphore(%arg11 : memref<!tpu.dma_semaphore, #tpu.memory_space<semaphore_mem>>)
    %dma_start3A_269 = arith.constant 4 : i32
    %dma_start3A_270 = arith.constant 1 : i32
    %dma_start3A_271 = arith.constant 0 : i32
    %dma_start3A_272 = arith.constant 0 : i32
    %dma_start3A_273 = tpu.memref_slice %arg10[%dma_start3A_270, %dma_start3A_271, %dma_start3A_272] : memref<3x128x128xf32, #tpu.memory_space<vmem>> -> memref<1x128x128xf32, #tpu.memory_space<vmem>>
    %dma_start3A_274 = tpu.memref_squeeze %dma_start3A_273 : memref<1x128x128xf32, #tpu.memory_space<vmem>> -> memref<128x128xf32, #tpu.memory_space<vmem>>
    %dma_start3A_275 = arith.constant 0 : i32
    %dma_start3A_276 = tpu.memref_slice %arg8[%dma_start3A_269, %dma_start3A_275] : memref<8x128xi32, #tpu.memory_space<vmem>> -> memref<1x128xi32, #tpu.memory_space<vmem>>
    %dma_start3A_277 = tpu.memref_squeeze %dma_start3A_276 : memref<1x128xi32, #tpu.memory_space<vmem>> -> memref<128xi32, #tpu.memory_space<vmem>>
    %dma_start3A_278 = arith.constant 0 : i32
    %dma_start3A_279 = arith.constant 0 : i32
    %dma_start3A_280 = tpu.memref_slice %arg2[%dma_start3A_278, %dma_start3A_279] : memref<100000x128xf32, #tpu.memory_space<hbm>> -> memref<100000x128xf32, #tpu.memory_space<hbm>>
    tpu.enqueue_indirect_dma source(%dma_start3A_280 : memref<100000x128xf32, #tpu.memory_space<hbm>>) target(%dma_start3A_274 : memref<128x128xf32, #tpu.memory_space<vmem>>) offsets(%dma_start3A_277 : memref<128xi32, #tpu.memory_space<vmem>>) semaphore(%arg11 : memref<!tpu.dma_semaphore, #tpu.memory_space<semaphore_mem>>)
    %dma_wait3A_281 = arith.constant 2 : i32
    %dma_wait3A_282 = arith.constant 2 : i32
    %dma_wait3A_283 = arith.constant 0 : i32
    %dma_wait3A_284 = arith.constant 0 : i32
    %dma_wait3A_285 = tpu.memref_slice %arg9[%dma_wait3A_282, %dma_wait3A_283, %dma_wait3A_284] : memref<3x128x128xf32, #tpu.memory_space<vmem>> -> memref<1x128x128xf32, #tpu.memory_space<vmem>>
    %dma_wait3A_286 = tpu.memref_squeeze %dma_wait3A_285 : memref<1x128x128xf32, #tpu.memory_space<vmem>> -> memref<128x128xf32, #tpu.memory_space<vmem>>
    %dma_wait3A_287 = arith.constant 0 : i32
    %dma_wait3A_288 = tpu.memref_slice %arg7[%dma_wait3A_281, %dma_wait3A_287] : memref<8x128xi32, #tpu.memory_space<vmem>> -> memref<1x128xi32, #tpu.memory_space<vmem>>
    %dma_wait3A_289 = tpu.memref_squeeze %dma_wait3A_288 : memref<1x128xi32, #tpu.memory_space<vmem>> -> memref<128xi32, #tpu.memory_space<vmem>>
    %dma_wait3A_290 = arith.constant 0 : i32
    %dma_wait3A_291 = arith.constant 0 : i32
    %dma_wait3A_292 = tpu.memref_slice %arg2[%dma_wait3A_290, %dma_wait3A_291] : memref<100000x128xf32, #tpu.memory_space<hbm>> -> memref<100000x128xf32, #tpu.memory_space<hbm>>
    tpu.wait_indirect_dma semaphore(%arg11 : memref<!tpu.dma_semaphore, #tpu.memory_space<semaphore_mem>>) src(%dma_wait3A_292 : memref<100000x128xf32, #tpu.memory_space<hbm>>) dst(%dma_wait3A_286 : memref<128x128xf32, #tpu.memory_space<vmem>>)
    %dma_wait3A_293 = arith.constant 2 : i32
    %dma_wait3A_294 = arith.constant 2 : i32
    %dma_wait3A_295 = arith.constant 0 : i32
    %dma_wait3A_296 = arith.constant 0 : i32
    %dma_wait3A_297 = tpu.memref_slice %arg10[%dma_wait3A_294, %dma_wait3A_295, %dma_wait3A_296] : memref<3x128x128xf32, #tpu.memory_space<vmem>> -> memref<1x128x128xf32, #tpu.memory_space<vmem>>
    %dma_wait3A_298 = tpu.memref_squeeze %dma_wait3A_297 : memref<1x128x128xf32, #tpu.memory_space<vmem>> -> memref<128x128xf32, #tpu.memory_space<vmem>>
    %dma_wait3A_299 = arith.constant 0 : i32
    %dma_wait3A_300 = tpu.memref_slice %arg8[%dma_wait3A_293, %dma_wait3A_299] : memref<8x128xi32, #tpu.memory_space<vmem>> -> memref<1x128xi32, #tpu.memory_space<vmem>>
    %dma_wait3A_301 = tpu.memref_squeeze %dma_wait3A_300 : memref<1x128xi32, #tpu.memory_space<vmem>> -> memref<128xi32, #tpu.memory_space<vmem>>
    %dma_wait3A_302 = arith.constant 0 : i32
    %dma_wait3A_303 = arith.constant 0 : i32
    %dma_wait3A_304 = tpu.memref_slice %arg2[%dma_wait3A_302, %dma_wait3A_303] : memref<100000x128xf32, #tpu.memory_space<hbm>> -> memref<100000x128xf32, #tpu.memory_space<hbm>>
    tpu.wait_indirect_dma semaphore(%arg11 : memref<!tpu.dma_semaphore, #tpu.memory_space<semaphore_mem>>) src(%dma_wait3A_304 : memref<100000x128xf32, #tpu.memory_space<hbm>>) dst(%dma_wait3A_298 : memref<128x128xf32, #tpu.memory_space<vmem>>)
    %add3A_305 = arith.constant 256 : i32
    %add3A_306 = arith.addi %mul3A_2, %add3A_305 : i32
    %dma_start3A_307 = arith.constant 2 : i32
    %dma_start3A_308 = arith.constant 0 : i32
    %dma_start3A_309 = arith.constant 0 : i32
    %dma_start3A_310 = tpu.memref_slice %arg9[%dma_start3A_307, %dma_start3A_308, %dma_start3A_309] : memref<3x128x128xf32, #tpu.memory_space<vmem>> -> memref<1x128x128xf32, #tpu.memory_space<vmem>>
    %dma_start3A_311 = tpu.memref_squeeze %dma_start3A_310 : memref<1x128x128xf32, #tpu.memory_space<vmem>> -> memref<128x128xf32, #tpu.memory_space<vmem>>
    %dma_start3A_312 = arith.constant 0 : i32
    %dma_start3A_313 = tpu.memref_slice %arg5[%add3A_306, %dma_start3A_312] : memref<20480x128xf32, #tpu.memory_space<hbm>> -> memref<128x128xf32, #tpu.memory_space<hbm>>
    %dma_start3A_314 = arith.constant 0 : i32
    %dma_start3A_315 = tpu.memref_slice %arg5[%add3A_306, %dma_start3A_314] : memref<20480x128xf32, #tpu.memory_space<hbm>> -> memref<128x128xf32, #tpu.memory_space<hbm>>
    %dma_start3A_316 = arith.constant 0 : i32
    %dma_start3A_317 = arith.constant 0 : i32
    %dma_start3A_318 = tpu.memref_slice %arg9[%dma_start3A_307, %dma_start3A_316, %dma_start3A_317] : memref<3x128x128xf32, #tpu.memory_space<vmem>> -> memref<1x128x128xf32, #tpu.memory_space<vmem>>
    %dma_start3A_319 = tpu.memref_squeeze %dma_start3A_318 : memref<1x128x128xf32, #tpu.memory_space<vmem>> -> memref<128x128xf32, #tpu.memory_space<vmem>>
    tpu.enqueue_dma source(%dma_start3A_319 : memref<128x128xf32, #tpu.memory_space<vmem>>) target(%dma_start3A_315 : memref<128x128xf32, #tpu.memory_space<hbm>>) target_semaphore(%arg12 : memref<!tpu.dma_semaphore, #tpu.memory_space<semaphore_mem>>)
    %dma_start3A_320 = arith.constant 2 : i32
    %dma_start3A_321 = arith.constant 0 : i32
    %dma_start3A_322 = arith.constant 0 : i32
    %dma_start3A_323 = tpu.memref_slice %arg10[%dma_start3A_320, %dma_start3A_321, %dma_start3A_322] : memref<3x128x128xf32, #tpu.memory_space<vmem>> -> memref<1x128x128xf32, #tpu.memory_space<vmem>>
    %dma_start3A_324 = tpu.memref_squeeze %dma_start3A_323 : memref<1x128x128xf32, #tpu.memory_space<vmem>> -> memref<128x128xf32, #tpu.memory_space<vmem>>
    %dma_start3A_325 = arith.constant 0 : i32
    %dma_start3A_326 = tpu.memref_slice %arg6[%add3A_306, %dma_start3A_325] : memref<20480x128xf32, #tpu.memory_space<hbm>> -> memref<128x128xf32, #tpu.memory_space<hbm>>
    %dma_start3A_327 = arith.constant 0 : i32
    %dma_start3A_328 = tpu.memref_slice %arg6[%add3A_306, %dma_start3A_327] : memref<20480x128xf32, #tpu.memory_space<hbm>> -> memref<128x128xf32, #tpu.memory_space<hbm>>
    %dma_start3A_329 = arith.constant 0 : i32
    %dma_start3A_330 = arith.constant 0 : i32
    %dma_start3A_331 = tpu.memref_slice %arg10[%dma_start3A_320, %dma_start3A_329, %dma_start3A_330] : memref<3x128x128xf32, #tpu.memory_space<vmem>> -> memref<1x128x128xf32, #tpu.memory_space<vmem>>
    %dma_start3A_332 = tpu.memref_squeeze %dma_start3A_331 : memref<1x128x128xf32, #tpu.memory_space<vmem>> -> memref<128x128xf32, #tpu.memory_space<vmem>>
    tpu.enqueue_dma source(%dma_start3A_332 : memref<128x128xf32, #tpu.memory_space<vmem>>) target(%dma_start3A_328 : memref<128x128xf32, #tpu.memory_space<hbm>>) target_semaphore(%arg12 : memref<!tpu.dma_semaphore, #tpu.memory_space<semaphore_mem>>)
    %dma_wait3A_333 = arith.constant 3 : i32
    %dma_wait3A_334 = arith.constant 0 : i32
    %dma_wait3A_335 = arith.constant 0 : i32
    %dma_wait3A_336 = arith.constant 0 : i32
    %dma_wait3A_337 = tpu.memref_slice %arg9[%dma_wait3A_334, %dma_wait3A_335, %dma_wait3A_336] : memref<3x128x128xf32, #tpu.memory_space<vmem>> -> memref<1x128x128xf32, #tpu.memory_space<vmem>>
    %dma_wait3A_338 = tpu.memref_squeeze %dma_wait3A_337 : memref<1x128x128xf32, #tpu.memory_space<vmem>> -> memref<128x128xf32, #tpu.memory_space<vmem>>
    %dma_wait3A_339 = arith.constant 0 : i32
    %dma_wait3A_340 = tpu.memref_slice %arg7[%dma_wait3A_333, %dma_wait3A_339] : memref<8x128xi32, #tpu.memory_space<vmem>> -> memref<1x128xi32, #tpu.memory_space<vmem>>
    %dma_wait3A_341 = tpu.memref_squeeze %dma_wait3A_340 : memref<1x128xi32, #tpu.memory_space<vmem>> -> memref<128xi32, #tpu.memory_space<vmem>>
    %dma_wait3A_342 = arith.constant 0 : i32
    %dma_wait3A_343 = arith.constant 0 : i32
    %dma_wait3A_344 = tpu.memref_slice %arg2[%dma_wait3A_342, %dma_wait3A_343] : memref<100000x128xf32, #tpu.memory_space<hbm>> -> memref<100000x128xf32, #tpu.memory_space<hbm>>
    tpu.wait_indirect_dma semaphore(%arg11 : memref<!tpu.dma_semaphore, #tpu.memory_space<semaphore_mem>>) src(%dma_wait3A_344 : memref<100000x128xf32, #tpu.memory_space<hbm>>) dst(%dma_wait3A_338 : memref<128x128xf32, #tpu.memory_space<vmem>>)
    %dma_wait3A_345 = arith.constant 3 : i32
    %dma_wait3A_346 = arith.constant 0 : i32
    %dma_wait3A_347 = arith.constant 0 : i32
    %dma_wait3A_348 = arith.constant 0 : i32
    %dma_wait3A_349 = tpu.memref_slice %arg10[%dma_wait3A_346, %dma_wait3A_347, %dma_wait3A_348] : memref<3x128x128xf32, #tpu.memory_space<vmem>> -> memref<1x128x128xf32, #tpu.memory_space<vmem>>
    %dma_wait3A_350 = tpu.memref_squeeze %dma_wait3A_349 : memref<1x128x128xf32, #tpu.memory_space<vmem>> -> memref<128x128xf32, #tpu.memory_space<vmem>>
    %dma_wait3A_351 = arith.constant 0 : i32
    %dma_wait3A_352 = tpu.memref_slice %arg8[%dma_wait3A_345, %dma_wait3A_351] : memref<8x128xi32, #tpu.memory_space<vmem>> -> memref<1x128xi32, #tpu.memory_space<vmem>>
    %dma_wait3A_353 = tpu.memref_squeeze %dma_wait3A_352 : memref<1x128xi32, #tpu.memory_space<vmem>> -> memref<128xi32, #tpu.memory_space<vmem>>
    %dma_wait3A_354 = arith.constant 0 : i32
    %dma_wait3A_355 = arith.constant 0 : i32
    %dma_wait3A_356 = tpu.memref_slice %arg2[%dma_wait3A_354, %dma_wait3A_355] : memref<100000x128xf32, #tpu.memory_space<hbm>> -> memref<100000x128xf32, #tpu.memory_space<hbm>>
    tpu.wait_indirect_dma semaphore(%arg11 : memref<!tpu.dma_semaphore, #tpu.memory_space<semaphore_mem>>) src(%dma_wait3A_356 : memref<100000x128xf32, #tpu.memory_space<hbm>>) dst(%dma_wait3A_350 : memref<128x128xf32, #tpu.memory_space<vmem>>)
    %add3A_357 = arith.constant 384 : i32
    %add3A_358 = arith.addi %mul3A_2, %add3A_357 : i32
    %dma_start3A_359 = arith.constant 0 : i32
    %dma_start3A_360 = arith.constant 0 : i32
    %dma_start3A_361 = arith.constant 0 : i32
    %dma_start3A_362 = tpu.memref_slice %arg9[%dma_start3A_359, %dma_start3A_360, %dma_start3A_361] : memref<3x128x128xf32, #tpu.memory_space<vmem>> -> memref<1x128x128xf32, #tpu.memory_space<vmem>>
    %dma_start3A_363 = tpu.memref_squeeze %dma_start3A_362 : memref<1x128x128xf32, #tpu.memory_space<vmem>> -> memref<128x128xf32, #tpu.memory_space<vmem>>
    %dma_start3A_364 = arith.constant 0 : i32
    %dma_start3A_365 = tpu.memref_slice %arg5[%add3A_358, %dma_start3A_364] : memref<20480x128xf32, #tpu.memory_space<hbm>> -> memref<128x128xf32, #tpu.memory_space<hbm>>
    %dma_start3A_366 = arith.constant 0 : i32
    %dma_start3A_367 = tpu.memref_slice %arg5[%add3A_358, %dma_start3A_366] : memref<20480x128xf32, #tpu.memory_space<hbm>> -> memref<128x128xf32, #tpu.memory_space<hbm>>
    %dma_start3A_368 = arith.constant 0 : i32
    %dma_start3A_369 = arith.constant 0 : i32
    %dma_start3A_370 = tpu.memref_slice %arg9[%dma_start3A_359, %dma_start3A_368, %dma_start3A_369] : memref<3x128x128xf32, #tpu.memory_space<vmem>> -> memref<1x128x128xf32, #tpu.memory_space<vmem>>
    %dma_start3A_371 = tpu.memref_squeeze %dma_start3A_370 : memref<1x128x128xf32, #tpu.memory_space<vmem>> -> memref<128x128xf32, #tpu.memory_space<vmem>>
    tpu.enqueue_dma source(%dma_start3A_371 : memref<128x128xf32, #tpu.memory_space<vmem>>) target(%dma_start3A_367 : memref<128x128xf32, #tpu.memory_space<hbm>>) target_semaphore(%arg12 : memref<!tpu.dma_semaphore, #tpu.memory_space<semaphore_mem>>)
    %dma_start3A_372 = arith.constant 0 : i32
    %dma_start3A_373 = arith.constant 0 : i32
    %dma_start3A_374 = arith.constant 0 : i32
    %dma_start3A_375 = tpu.memref_slice %arg10[%dma_start3A_372, %dma_start3A_373, %dma_start3A_374] : memref<3x128x128xf32, #tpu.memory_space<vmem>> -> memref<1x128x128xf32, #tpu.memory_space<vmem>>
    %dma_start3A_376 = tpu.memref_squeeze %dma_start3A_375 : memref<1x128x128xf32, #tpu.memory_space<vmem>> -> memref<128x128xf32, #tpu.memory_space<vmem>>
    %dma_start3A_377 = arith.constant 0 : i32
    %dma_start3A_378 = tpu.memref_slice %arg6[%add3A_358, %dma_start3A_377] : memref<20480x128xf32, #tpu.memory_space<hbm>> -> memref<128x128xf32, #tpu.memory_space<hbm>>
    %dma_start3A_379 = arith.constant 0 : i32
    %dma_start3A_380 = tpu.memref_slice %arg6[%add3A_358, %dma_start3A_379] : memref<20480x128xf32, #tpu.memory_space<hbm>> -> memref<128x128xf32, #tpu.memory_space<hbm>>
    %dma_start3A_381 = arith.constant 0 : i32
    %dma_start3A_382 = arith.constant 0 : i32
    %dma_start3A_383 = tpu.memref_slice %arg10[%dma_start3A_372, %dma_start3A_381, %dma_start3A_382] : memref<3x128x128xf32, #tpu.memory_space<vmem>> -> memref<1x128x128xf32, #tpu.memory_space<vmem>>
    %dma_start3A_384 = tpu.memref_squeeze %dma_start3A_383 : memref<1x128x128xf32, #tpu.memory_space<vmem>> -> memref<128x128xf32, #tpu.memory_space<vmem>>
    tpu.enqueue_dma source(%dma_start3A_384 : memref<128x128xf32, #tpu.memory_space<vmem>>) target(%dma_start3A_380 : memref<128x128xf32, #tpu.memory_space<hbm>>) target_semaphore(%arg12 : memref<!tpu.dma_semaphore, #tpu.memory_space<semaphore_mem>>)
    %dma_wait3A_385 = arith.constant 4 : i32
    %dma_wait3A_386 = arith.constant 1 : i32
    %dma_wait3A_387 = arith.constant 0 : i32
    %dma_wait3A_388 = arith.constant 0 : i32
    %dma_wait3A_389 = tpu.memref_slice %arg9[%dma_wait3A_386, %dma_wait3A_387, %dma_wait3A_388] : memref<3x128x128xf32, #tpu.memory_space<vmem>> -> memref<1x128x128xf32, #tpu.memory_space<vmem>>
    %dma_wait3A_390 = tpu.memref_squeeze %dma_wait3A_389 : memref<1x128x128xf32, #tpu.memory_space<vmem>> -> memref<128x128xf32, #tpu.memory_space<vmem>>
    %dma_wait3A_391 = arith.constant 0 : i32
    %dma_wait3A_392 = tpu.memref_slice %arg7[%dma_wait3A_385, %dma_wait3A_391] : memref<8x128xi32, #tpu.memory_space<vmem>> -> memref<1x128xi32, #tpu.memory_space<vmem>>
    %dma_wait3A_393 = tpu.memref_squeeze %dma_wait3A_392 : memref<1x128xi32, #tpu.memory_space<vmem>> -> memref<128xi32, #tpu.memory_space<vmem>>
    %dma_wait3A_394 = arith.constant 0 : i32
    %dma_wait3A_395 = arith.constant 0 : i32
    %dma_wait3A_396 = tpu.memref_slice %arg2[%dma_wait3A_394, %dma_wait3A_395] : memref<100000x128xf32, #tpu.memory_space<hbm>> -> memref<100000x128xf32, #tpu.memory_space<hbm>>
    tpu.wait_indirect_dma semaphore(%arg11 : memref<!tpu.dma_semaphore, #tpu.memory_space<semaphore_mem>>) src(%dma_wait3A_396 : memref<100000x128xf32, #tpu.memory_space<hbm>>) dst(%dma_wait3A_390 : memref<128x128xf32, #tpu.memory_space<vmem>>)
    %dma_wait3A_397 = arith.constant 4 : i32
    %dma_wait3A_398 = arith.constant 1 : i32
    %dma_wait3A_399 = arith.constant 0 : i32
    %dma_wait3A_400 = arith.constant 0 : i32
    %dma_wait3A_401 = tpu.memref_slice %arg10[%dma_wait3A_398, %dma_wait3A_399, %dma_wait3A_400] : memref<3x128x128xf32, #tpu.memory_space<vmem>> -> memref<1x128x128xf32, #tpu.memory_space<vmem>>
    %dma_wait3A_402 = tpu.memref_squeeze %dma_wait3A_401 : memref<1x128x128xf32, #tpu.memory_space<vmem>> -> memref<128x128xf32, #tpu.memory_space<vmem>>
    %dma_wait3A_403 = arith.constant 0 : i32
    %dma_wait3A_404 = tpu.memref_slice %arg8[%dma_wait3A_397, %dma_wait3A_403] : memref<8x128xi32, #tpu.memory_space<vmem>> -> memref<1x128xi32, #tpu.memory_space<vmem>>
    %dma_wait3A_405 = tpu.memref_squeeze %dma_wait3A_404 : memref<1x128xi32, #tpu.memory_space<vmem>> -> memref<128xi32, #tpu.memory_space<vmem>>
    %dma_wait3A_406 = arith.constant 0 : i32
    %dma_wait3A_407 = arith.constant 0 : i32
    %dma_wait3A_408 = tpu.memref_slice %arg2[%dma_wait3A_406, %dma_wait3A_407] : memref<100000x128xf32, #tpu.memory_space<hbm>> -> memref<100000x128xf32, #tpu.memory_space<hbm>>
    tpu.wait_indirect_dma semaphore(%arg11 : memref<!tpu.dma_semaphore, #tpu.memory_space<semaphore_mem>>) src(%dma_wait3A_408 : memref<100000x128xf32, #tpu.memory_space<hbm>>) dst(%dma_wait3A_402 : memref<128x128xf32, #tpu.memory_space<vmem>>)
    %add3A_409 = arith.constant 512 : i32
    %add3A_410 = arith.addi %mul3A_2, %add3A_409 : i32
    %dma_start3A_411 = arith.constant 1 : i32
    %dma_start3A_412 = arith.constant 0 : i32
    %dma_start3A_413 = arith.constant 0 : i32
    %dma_start3A_414 = tpu.memref_slice %arg9[%dma_start3A_411, %dma_start3A_412, %dma_start3A_413] : memref<3x128x128xf32, #tpu.memory_space<vmem>> -> memref<1x128x128xf32, #tpu.memory_space<vmem>>
    %dma_start3A_415 = tpu.memref_squeeze %dma_start3A_414 : memref<1x128x128xf32, #tpu.memory_space<vmem>> -> memref<128x128xf32, #tpu.memory_space<vmem>>
    %dma_start3A_416 = arith.constant 0 : i32
    %dma_start3A_417 = tpu.memref_slice %arg5[%add3A_410, %dma_start3A_416] : memref<20480x128xf32, #tpu.memory_space<hbm>> -> memref<128x128xf32, #tpu.memory_space<hbm>>
    %dma_start3A_418 = arith.constant 0 : i32
    %dma_start3A_419 = tpu.memref_slice %arg5[%add3A_410, %dma_start3A_418] : memref<20480x128xf32, #tpu.memory_space<hbm>> -> memref<128x128xf32, #tpu.memory_space<hbm>>
    %dma_start3A_420 = arith.constant 0 : i32
    %dma_start3A_421 = arith.constant 0 : i32
    %dma_start3A_422 = tpu.memref_slice %arg9[%dma_start3A_411, %dma_start3A_420, %dma_start3A_421] : memref<3x128x128xf32, #tpu.memory_space<vmem>> -> memref<1x128x128xf32, #tpu.memory_space<vmem>>
    %dma_start3A_423 = tpu.memref_squeeze %dma_start3A_422 : memref<1x128x128xf32, #tpu.memory_space<vmem>> -> memref<128x128xf32, #tpu.memory_space<vmem>>
    tpu.enqueue_dma source(%dma_start3A_423 : memref<128x128xf32, #tpu.memory_space<vmem>>) target(%dma_start3A_419 : memref<128x128xf32, #tpu.memory_space<hbm>>) target_semaphore(%arg12 : memref<!tpu.dma_semaphore, #tpu.memory_space<semaphore_mem>>)
    %dma_start3A_424 = arith.constant 1 : i32
    %dma_start3A_425 = arith.constant 0 : i32
    %dma_start3A_426 = arith.constant 0 : i32
    %dma_start3A_427 = tpu.memref_slice %arg10[%dma_start3A_424, %dma_start3A_425, %dma_start3A_426] : memref<3x128x128xf32, #tpu.memory_space<vmem>> -> memref<1x128x128xf32, #tpu.memory_space<vmem>>
    %dma_start3A_428 = tpu.memref_squeeze %dma_start3A_427 : memref<1x128x128xf32, #tpu.memory_space<vmem>> -> memref<128x128xf32, #tpu.memory_space<vmem>>
    %dma_start3A_429 = arith.constant 0 : i32
    %dma_start3A_430 = tpu.memref_slice %arg6[%add3A_410, %dma_start3A_429] : memref<20480x128xf32, #tpu.memory_space<hbm>> -> memref<128x128xf32, #tpu.memory_space<hbm>>
    %dma_start3A_431 = arith.constant 0 : i32
    %dma_start3A_432 = tpu.memref_slice %arg6[%add3A_410, %dma_start3A_431] : memref<20480x128xf32, #tpu.memory_space<hbm>> -> memref<128x128xf32, #tpu.memory_space<hbm>>
    %dma_start3A_433 = arith.constant 0 : i32
    %dma_start3A_434 = arith.constant 0 : i32
    %dma_start3A_435 = tpu.memref_slice %arg10[%dma_start3A_424, %dma_start3A_433, %dma_start3A_434] : memref<3x128x128xf32, #tpu.memory_space<vmem>> -> memref<1x128x128xf32, #tpu.memory_space<vmem>>
    %dma_start3A_436 = tpu.memref_squeeze %dma_start3A_435 : memref<1x128x128xf32, #tpu.memory_space<vmem>> -> memref<128x128xf32, #tpu.memory_space<vmem>>
    tpu.enqueue_dma source(%dma_start3A_436 : memref<128x128xf32, #tpu.memory_space<vmem>>) target(%dma_start3A_432 : memref<128x128xf32, #tpu.memory_space<hbm>>) target_semaphore(%arg12 : memref<!tpu.dma_semaphore, #tpu.memory_space<semaphore_mem>>)
    %add3A_437 = arith.constant 256 : i32
    %add3A_438 = arith.addi %mul3A_2, %add3A_437 : i32
    %dma_wait3A_439 = arith.constant 2 : i32
    %dma_wait3A_440 = arith.constant 0 : i32
    %dma_wait3A_441 = arith.constant 0 : i32
    %dma_wait3A_442 = tpu.memref_slice %arg9[%dma_wait3A_439, %dma_wait3A_440, %dma_wait3A_441] : memref<3x128x128xf32, #tpu.memory_space<vmem>> -> memref<1x128x128xf32, #tpu.memory_space<vmem>>
    %dma_wait3A_443 = tpu.memref_squeeze %dma_wait3A_442 : memref<1x128x128xf32, #tpu.memory_space<vmem>> -> memref<128x128xf32, #tpu.memory_space<vmem>>
    %dma_wait3A_444 = arith.constant 0 : i32
    %dma_wait3A_445 = tpu.memref_slice %arg5[%add3A_438, %dma_wait3A_444] : memref<20480x128xf32, #tpu.memory_space<hbm>> -> memref<128x128xf32, #tpu.memory_space<hbm>>
    %dma_wait3A_446 = arith.constant 0 : i32
    %dma_wait3A_447 = tpu.memref_slice %arg5[%add3A_438, %dma_wait3A_446] : memref<20480x128xf32, #tpu.memory_space<hbm>> -> memref<128x128xf32, #tpu.memory_space<hbm>>
    %dma_wait3A_448 = arith.constant 0 : i32
    %dma_wait3A_449 = arith.constant 0 : i32
    %dma_wait3A_450 = tpu.memref_slice %arg9[%dma_wait3A_439, %dma_wait3A_448, %dma_wait3A_449] : memref<3x128x128xf32, #tpu.memory_space<vmem>> -> memref<1x128x128xf32, #tpu.memory_space<vmem>>
    %dma_wait3A_451 = tpu.memref_squeeze %dma_wait3A_450 : memref<1x128x128xf32, #tpu.memory_space<vmem>> -> memref<128x128xf32, #tpu.memory_space<vmem>>
    tpu.wait_dma2 semaphore(%arg12 : memref<!tpu.dma_semaphore, #tpu.memory_space<semaphore_mem>>) src(%dma_wait3A_451 : memref<128x128xf32, #tpu.memory_space<vmem>>) dst(%dma_wait3A_447 : memref<128x128xf32, #tpu.memory_space<hbm>>)
    %dma_wait3A_452 = arith.constant 2 : i32
    %dma_wait3A_453 = arith.constant 0 : i32
    %dma_wait3A_454 = arith.constant 0 : i32
    %dma_wait3A_455 = tpu.memref_slice %arg10[%dma_wait3A_452, %dma_wait3A_453, %dma_wait3A_454] : memref<3x128x128xf32, #tpu.memory_space<vmem>> -> memref<1x128x128xf32, #tpu.memory_space<vmem>>
    %dma_wait3A_456 = tpu.memref_squeeze %dma_wait3A_455 : memref<1x128x128xf32, #tpu.memory_space<vmem>> -> memref<128x128xf32, #tpu.memory_space<vmem>>
    %dma_wait3A_457 = arith.constant 0 : i32
    %dma_wait3A_458 = tpu.memref_slice %arg6[%add3A_438, %dma_wait3A_457] : memref<20480x128xf32, #tpu.memory_space<hbm>> -> memref<128x128xf32, #tpu.memory_space<hbm>>
    %dma_wait3A_459 = arith.constant 0 : i32
    %dma_wait3A_460 = tpu.memref_slice %arg6[%add3A_438, %dma_wait3A_459] : memref<20480x128xf32, #tpu.memory_space<hbm>> -> memref<128x128xf32, #tpu.memory_space<hbm>>
    %dma_wait3A_461 = arith.constant 0 : i32
    %dma_wait3A_462 = arith.constant 0 : i32
    %dma_wait3A_463 = tpu.memref_slice %arg10[%dma_wait3A_452, %dma_wait3A_461, %dma_wait3A_462] : memref<3x128x128xf32, #tpu.memory_space<vmem>> -> memref<1x128x128xf32, #tpu.memory_space<vmem>>
    %dma_wait3A_464 = tpu.memref_squeeze %dma_wait3A_463 : memref<1x128x128xf32, #tpu.memory_space<vmem>> -> memref<128x128xf32, #tpu.memory_space<vmem>>
    tpu.wait_dma2 semaphore(%arg12 : memref<!tpu.dma_semaphore, #tpu.memory_space<semaphore_mem>>) src(%dma_wait3A_464 : memref<128x128xf32, #tpu.memory_space<vmem>>) dst(%dma_wait3A_460 : memref<128x128xf32, #tpu.memory_space<hbm>>)
    %add3A_465 = arith.constant 384 : i32
    %add3A_466 = arith.addi %mul3A_2, %add3A_465 : i32
    %dma_wait3A_467 = arith.constant 0 : i32
    %dma_wait3A_468 = arith.constant 0 : i32
    %dma_wait3A_469 = arith.constant 0 : i32
    %dma_wait3A_470 = tpu.memref_slice %arg9[%dma_wait3A_467, %dma_wait3A_468, %dma_wait3A_469] : memref<3x128x128xf32, #tpu.memory_space<vmem>> -> memref<1x128x128xf32, #tpu.memory_space<vmem>>
    %dma_wait3A_471 = tpu.memref_squeeze %dma_wait3A_470 : memref<1x128x128xf32, #tpu.memory_space<vmem>> -> memref<128x128xf32, #tpu.memory_space<vmem>>
    %dma_wait3A_472 = arith.constant 0 : i32
    %dma_wait3A_473 = tpu.memref_slice %arg5[%add3A_466, %dma_wait3A_472] : memref<20480x128xf32, #tpu.memory_space<hbm>> -> memref<128x128xf32, #tpu.memory_space<hbm>>
    %dma_wait3A_474 = arith.constant 0 : i32
    %dma_wait3A_475 = tpu.memref_slice %arg5[%add3A_466, %dma_wait3A_474] : memref<20480x128xf32, #tpu.memory_space<hbm>> -> memref<128x128xf32, #tpu.memory_space<hbm>>
    %dma_wait3A_476 = arith.constant 0 : i32
    %dma_wait3A_477 = arith.constant 0 : i32
    %dma_wait3A_478 = tpu.memref_slice %arg9[%dma_wait3A_467, %dma_wait3A_476, %dma_wait3A_477] : memref<3x128x128xf32, #tpu.memory_space<vmem>> -> memref<1x128x128xf32, #tpu.memory_space<vmem>>
    %dma_wait3A_479 = tpu.memref_squeeze %dma_wait3A_478 : memref<1x128x128xf32, #tpu.memory_space<vmem>> -> memref<128x128xf32, #tpu.memory_space<vmem>>
    tpu.wait_dma2 semaphore(%arg12 : memref<!tpu.dma_semaphore, #tpu.memory_space<semaphore_mem>>) src(%dma_wait3A_479 : memref<128x128xf32, #tpu.memory_space<vmem>>) dst(%dma_wait3A_475 : memref<128x128xf32, #tpu.memory_space<hbm>>)
    %dma_wait3A_480 = arith.constant 0 : i32
    %dma_wait3A_481 = arith.constant 0 : i32
    %dma_wait3A_482 = arith.constant 0 : i32
    %dma_wait3A_483 = tpu.memref_slice %arg10[%dma_wait3A_480, %dma_wait3A_481, %dma_wait3A_482] : memref<3x128x128xf32, #tpu.memory_space<vmem>> -> memref<1x128x128xf32, #tpu.memory_space<vmem>>
    %dma_wait3A_484 = tpu.memref_squeeze %dma_wait3A_483 : memref<1x128x128xf32, #tpu.memory_space<vmem>> -> memref<128x128xf32, #tpu.memory_space<vmem>>
    %dma_wait3A_485 = arith.constant 0 : i32
    %dma_wait3A_486 = tpu.memref_slice %arg6[%add3A_466, %dma_wait3A_485] : memref<20480x128xf32, #tpu.memory_space<hbm>> -> memref<128x128xf32, #tpu.memory_space<hbm>>
    %dma_wait3A_487 = arith.constant 0 : i32
    %dma_wait3A_488 = tpu.memref_slice %arg6[%add3A_466, %dma_wait3A_487] : memref<20480x128xf32, #tpu.memory_space<hbm>> -> memref<128x128xf32, #tpu.memory_space<hbm>>
    %dma_wait3A_489 = arith.constant 0 : i32
    %dma_wait3A_490 = arith.constant 0 : i32
    %dma_wait3A_491 = tpu.memref_slice %arg10[%dma_wait3A_480, %dma_wait3A_489, %dma_wait3A_490] : memref<3x128x128xf32, #tpu.memory_space<vmem>> -> memref<1x128x128xf32, #tpu.memory_space<vmem>>
    %dma_wait3A_492 = tpu.memref_squeeze %dma_wait3A_491 : memref<1x128x128xf32, #tpu.memory_space<vmem>> -> memref<128x128xf32, #tpu.memory_space<vmem>>
    tpu.wait_dma2 semaphore(%arg12 : memref<!tpu.dma_semaphore, #tpu.memory_space<semaphore_mem>>) src(%dma_wait3A_492 : memref<128x128xf32, #tpu.memory_space<vmem>>) dst(%dma_wait3A_488 : memref<128x128xf32, #tpu.memory_space<hbm>>)
    %add3A_493 = arith.constant 512 : i32
    %add3A_494 = arith.addi %mul3A_2, %add3A_493 : i32
    %dma_wait3A_495 = arith.constant 1 : i32
    %dma_wait3A_496 = arith.constant 0 : i32
    %dma_wait3A_497 = arith.constant 0 : i32
    %dma_wait3A_498 = tpu.memref_slice %arg9[%dma_wait3A_495, %dma_wait3A_496, %dma_wait3A_497] : memref<3x128x128xf32, #tpu.memory_space<vmem>> -> memref<1x128x128xf32, #tpu.memory_space<vmem>>
    %dma_wait3A_499 = tpu.memref_squeeze %dma_wait3A_498 : memref<1x128x128xf32, #tpu.memory_space<vmem>> -> memref<128x128xf32, #tpu.memory_space<vmem>>
    %dma_wait3A_500 = arith.constant 0 : i32
    %dma_wait3A_501 = tpu.memref_slice %arg5[%add3A_494, %dma_wait3A_500] : memref<20480x128xf32, #tpu.memory_space<hbm>> -> memref<128x128xf32, #tpu.memory_space<hbm>>
    %dma_wait3A_502 = arith.constant 0 : i32
    %dma_wait3A_503 = tpu.memref_slice %arg5[%add3A_494, %dma_wait3A_502] : memref<20480x128xf32, #tpu.memory_space<hbm>> -> memref<128x128xf32, #tpu.memory_space<hbm>>
    %dma_wait3A_504 = arith.constant 0 : i32
    %dma_wait3A_505 = arith.constant 0 : i32
    %dma_wait3A_506 = tpu.memref_slice %arg9[%dma_wait3A_495, %dma_wait3A_504, %dma_wait3A_505] : memref<3x128x128xf32, #tpu.memory_space<vmem>> -> memref<1x128x128xf32, #tpu.memory_space<vmem>>
    %dma_wait3A_507 = tpu.memref_squeeze %dma_wait3A_506 : memref<1x128x128xf32, #tpu.memory_space<vmem>> -> memref<128x128xf32, #tpu.memory_space<vmem>>
    tpu.wait_dma2 semaphore(%arg12 : memref<!tpu.dma_semaphore, #tpu.memory_space<semaphore_mem>>) src(%dma_wait3A_507 : memref<128x128xf32, #tpu.memory_space<vmem>>) dst(%dma_wait3A_503 : memref<128x128xf32, #tpu.memory_space<hbm>>)
    %dma_wait3A_508 = arith.constant 1 : i32
    %dma_wait3A_509 = arith.constant 0 : i32
    %dma_wait3A_510 = arith.constant 0 : i32
    %dma_wait3A_511 = tpu.memref_slice %arg10[%dma_wait3A_508, %dma_wait3A_509, %dma_wait3A_510] : memref<3x128x128xf32, #tpu.memory_space<vmem>> -> memref<1x128x128xf32, #tpu.memory_space<vmem>>
    %dma_wait3A_512 = tpu.memref_squeeze %dma_wait3A_511 : memref<1x128x128xf32, #tpu.memory_space<vmem>> -> memref<128x128xf32, #tpu.memory_space<vmem>>
    %dma_wait3A_513 = arith.constant 0 : i32
    %dma_wait3A_514 = tpu.memref_slice %arg6[%add3A_494, %dma_wait3A_513] : memref<20480x128xf32, #tpu.memory_space<hbm>> -> memref<128x128xf32, #tpu.memory_space<hbm>>
    %dma_wait3A_515 = arith.constant 0 : i32
    %dma_wait3A_516 = tpu.memref_slice %arg6[%add3A_494, %dma_wait3A_515] : memref<20480x128xf32, #tpu.memory_space<hbm>> -> memref<128x128xf32, #tpu.memory_space<hbm>>
    %dma_wait3A_517 = arith.constant 0 : i32
    %dma_wait3A_518 = arith.constant 0 : i32
    %dma_wait3A_519 = tpu.memref_slice %arg10[%dma_wait3A_508, %dma_wait3A_517, %dma_wait3A_518] : memref<3x128x128xf32, #tpu.memory_space<vmem>> -> memref<1x128x128xf32, #tpu.memory_space<vmem>>
    %dma_wait3A_520 = tpu.memref_squeeze %dma_wait3A_519 : memref<1x128x128xf32, #tpu.memory_space<vmem>> -> memref<128x128xf32, #tpu.memory_space<vmem>>
    tpu.wait_dma2 semaphore(%arg12 : memref<!tpu.dma_semaphore, #tpu.memory_space<semaphore_mem>>) src(%dma_wait3A_520 : memref<128x128xf32, #tpu.memory_space<vmem>>) dst(%dma_wait3A_516 : memref<128x128xf32, #tpu.memory_space<hbm>>)
    return
  }
}

module attributes {stable_mosaic.version = 14 : i64} {
  func.func @_concat_body(%arg0: i32, %arg1: memref<64x6400xf32, #tpu.memory_space<vmem>>, %arg2: memref<64x6400xf32, #tpu.memory_space<vmem>>, %arg3: memref<6400x128xf32, #tpu.memory_space<vmem>>) attributes {dimension_semantics = [#tpu.dimension_semantics<arbitrary>], iteration_bounds = array<i64: 16>, scalar_prefetch = 0 : i64, scratch_operands = 0 : i64, tpu.core_type = #tpu.core_type<tc>, window_params = [{transform_indices = @transform_0, window_bounds = array<i64: 64, 6400>}, {transform_indices = @transform_1, window_bounds = array<i64: 64, 6400>}, {transform_indices = @transform_2, window_bounds = array<i64: 6400, 128>}]} {
    %get3A = arith.constant 0 : index
    %get3A_0 = arith.constant 0 : index
    %get3A_1 = vector.load %arg1[%get3A, %get3A_0] : memref<64x6400xf32, #tpu.memory_space<vmem>>, vector<64x6400xf32>
    %transpose3A = tpu.transpose %get3A_1, [1, 0] : vector<64x6400xf32> -> vector<6400x64xf32>
    %swap3A = arith.constant 0 : index
    %swap3A_2 = arith.constant 0 : index
    %swap3A_3 = vector.load %arg3[%swap3A, %swap3A_2] : memref<6400x128xf32, #tpu.memory_space<vmem>>, vector<6400x64xf32>
    tpu.vector_store %arg3[%swap3A, %swap3A_2], %transpose3A {strides = array<i32>} : memref<6400x128xf32, #tpu.memory_space<vmem>>, vector<6400x64xf32>,
    %get3A_4 = arith.constant 0 : index
    %get3A_5 = arith.constant 0 : index
    %get3A_6 = vector.load %arg2[%get3A_4, %get3A_5] : memref<64x6400xf32, #tpu.memory_space<vmem>>, vector<64x6400xf32>
    %transpose3A_7 = tpu.transpose %get3A_6, [1, 0] : vector<64x6400xf32> -> vector<6400x64xf32>
    %swap3A_8 = arith.constant 0 : index
    %swap3A_9 = arith.constant 64 : index
    %swap3A_10 = vector.load %arg3[%swap3A_8, %swap3A_9] : memref<6400x128xf32, #tpu.memory_space<vmem>>, vector<6400x64xf32>
    tpu.vector_store %arg3[%swap3A_8, %swap3A_9], %transpose3A_7 {strides = array<i32>} : memref<6400x128xf32, #tpu.memory_space<vmem>>, vector<6400x64xf32>,
    return
  }
  func.func @transform_0(%arg0: i32) -> (i32, i32) {
    %c0_i32 = arith.constant 0 : i32
    %c0_i32_0 = arith.constant 0 : i32
    return %c0_i32, %arg0 : i32, i32
  }
  func.func @transform_1(%arg0: i32) -> (i32, i32) {
    %c0_i32 = arith.constant 0 : i32
    %c0_i32_0 = arith.constant 0 : i32
    return %c0_i32, %arg0 : i32, i32
  }
  func.func @transform_2(%arg0: i32) -> (i32, i32) {
    %c0_i32 = arith.constant 0 : i32
    %c0_i32_0 = arith.constant 0 : i32
    return %arg0, %c0_i32 : i32, i32
  }
}

module attributes {stable_mosaic.version = 14 : i64} {
  func.func @_joint_body(%arg0: i32, %arg1: memref<1x1x1024xi32, #tpu.memory_space<vmem>>, %arg2: memref<1024x128xf32, #tpu.memory_space<vmem>>, %arg3: memref<1024x128xf32, #tpu.memory_space<vmem>>, %arg4: memref<169x64xf32, #tpu.memory_space<vmem>>, %arg5: memref<1x64x1024xf32, #tpu.memory_space<vmem>>) attributes {dimension_semantics = [#tpu.dimension_semantics<arbitrary>], iteration_bounds = array<i64: 20>, scalar_prefetch = 0 : i64, scratch_operands = 0 : i64, tpu.core_type = #tpu.core_type<tc>, window_params = [{transform_indices = @transform_0, window_bounds = array<i64: 1, 1, 1024>}, {transform_indices = @transform_1, window_bounds = array<i64: 1024, 128>}, {transform_indices = @transform_2, window_bounds = array<i64: 1024, 128>}, {pipeline_mode = #tpu.pipeline_mode<synchronous>, transform_indices = @transform_3, window_bounds = array<i64: 169, 64>}, {transform_indices = @transform_4, window_bounds = array<i64: 1, 64, 1024>}]} {
    %get3A = arith.constant 0 : index
    %get3A_0 = arith.constant 0 : index
    %get3A_1 = vector.load %arg4[%get3A, %get3A_0] : memref<169x64xf32, #tpu.memory_space<vmem>>, vector<169x64xf32>
    %convert_element_type3A = arith.truncf %get3A_1 : vector<169x64xf32> to vector<169x64xbf16>
    %iota3A = tpu.iota {dimensions = array<i32: 0>} : vector<169x1xi32>
    %get3A_2 = arith.constant 0 : index
    %get3A_3 = arith.constant 0 : index
    %get3A_4 = arith.constant 0 : index
    %get3A_5 = vector.load %arg1[%get3A_2, %get3A_3, %get3A_4] : memref<1x1x1024xi32, #tpu.memory_space<vmem>>, vector<1x1x1024xi32>
    %get3A_6 = vector.shape_cast %get3A_5 : vector<1x1x1024xi32> to vector<1x1024xi32>
    %eq3A = vector.broadcast %iota3A : vector<169x1xi32> to vector<169x1024xi32>
    %eq3A_7 = vector.broadcast %get3A_6 : vector<1x1024xi32> to vector<169x1024xi32>
    %eq3A_8 = arith.cmpi eq, %eq3A, %eq3A_7 : vector<169x1024xi32>
    %convert_element_type3A_9 = arith.extui %eq3A_8 : vector<169x1024xi1> to vector<169x1024xi32>
    %convert_element_type3A_10 = arith.sitofp %convert_element_type3A_9 : vector<169x1024xi32> to vector<169x1024xf32>
    %convert_element_type3A_11 = arith.truncf %convert_element_type3A_10 : vector<169x1024xf32> to vector<169x1024xbf16>
    %dot_general3A = arith.constant dense<0.000000e+00> : vector<64x1024xf32>
    %dot_general3A_12 = tpu.matmul %convert_element_type3A, %convert_element_type3A_11, %dot_general3A {dimension_numbers = #tpu.dot_dimension_numbers<[0], [0], [1], [1], [0, 1, 1, 1], [], []>, transpose_lhs_hint = false} : vector<169x64xbf16>, vector<169x1024xbf16>, vector<64x1024xf32> -> vector<64x1024xf32>
    %get3A_13 = arith.constant 0 : index
    %get3A_14 = arith.constant 0 : index
    %get3A_15 = vector.load %arg2[%get3A_13, %get3A_14] : memref<1024x128xf32, #tpu.memory_space<vmem>>, vector<1024x64xf32>
    %transpose3A = tpu.transpose %get3A_15, [1, 0] : vector<1024x64xf32> -> vector<64x1024xf32>
    %get3A_16 = arith.constant 0 : index
    %get3A_17 = arith.constant 64 : index
    %get3A_18 = vector.load %arg3[%get3A_16, %get3A_17] : memref<1024x128xf32, #tpu.memory_space<vmem>>, vector<1024x64xf32>
    %transpose3A_19 = tpu.transpose %get3A_18, [1, 0] : vector<1024x64xf32> -> vector<64x1024xf32>
    %add3A = arith.addf %transpose3A, %transpose3A_19 : vector<64x1024xf32>
    %add3A_20 = arith.addf %add3A, %dot_general3A_12 : vector<64x1024xf32>
    %swap3A = arith.constant 0 : index
    %swap3A_21 = arith.constant 0 : index
    %swap3A_22 = arith.constant 0 : index
    %swap3A_23 = vector.load %arg5[%swap3A, %swap3A_21, %swap3A_22] : memref<1x64x1024xf32, #tpu.memory_space<vmem>>, vector<1x64x1024xf32>
    %swap3A_24 = vector.shape_cast %swap3A_23 : vector<1x64x1024xf32> to vector<64x1024xf32>
    %swap3A_25 = vector.shape_cast %add3A_20 : vector<64x1024xf32> to vector<1x64x1024xf32>
    tpu.vector_store %arg5[%swap3A, %swap3A_21, %swap3A_22], %swap3A_25 {strides = array<i32>} : memref<1x64x1024xf32, #tpu.memory_space<vmem>>, vector<1x64x1024xf32>,
    return
  }
  func.func @transform_0(%arg0: i32) -> (i32, i32, i32) {
    %c0_i32 = arith.constant 0 : i32
    %c0_i32_0 = arith.constant 0 : i32
    %c0_i32_1 = arith.constant 0 : i32
    return %arg0, %c0_i32, %c0_i32_0 : i32, i32, i32
  }
  func.func @transform_1(%arg0: i32) -> (i32, i32) {
    %c0_i32 = arith.constant 0 : i32
    %c0_i32_0 = arith.constant 0 : i32
    return %arg0, %c0_i32 : i32, i32
  }
  func.func @transform_2(%arg0: i32) -> (i32, i32) {
    %c0_i32 = arith.constant 0 : i32
    %c0_i32_0 = arith.constant 0 : i32
    return %arg0, %c0_i32 : i32, i32
  }
  func.func @transform_3(%arg0: i32) -> (i32, i32) {
    %c0_i32 = arith.constant 0 : i32
    %c0_i32_0 = arith.constant 0 : i32
    %c0_i32_1 = arith.constant 0 : i32
    return %c0_i32, %c0_i32_0 : i32, i32
  }
  func.func @transform_4(%arg0: i32) -> (i32, i32, i32) {
    %c0_i32 = arith.constant 0 : i32
    %c0_i32_0 = arith.constant 0 : i32
    %c0_i32_1 = arith.constant 0 : i32
    return %arg0, %c0_i32, %c0_i32_0 : i32, i32, i32
  }
}

module attributes {stable_mosaic.version = 14 : i64} {
  func.func @_delta_body(%arg0: i32, %arg1: memref<1x1024xi32, #tpu.memory_space<vmem>>, %arg2: memref<32x1024xf32, #tpu.memory_space<vmem>>, %arg3: memref<2x64xf32, #tpu.memory_space<vmem>>, %arg4: memref<2x64xf32, #tpu.memory_space<vmem>>, %arg5: memref<2x64xf32, #tpu.memory_space<vmem>>, %arg6: memref<2x64xf32, #tpu.memory_space<vmem>>, %arg7: memref<16x64x1024xf32, #tpu.memory_space<vmem>>) attributes {dimension_semantics = [#tpu.dimension_semantics<arbitrary>], iteration_bounds = array<i64: 25>, scalar_prefetch = 0 : i64, scratch_operands = 0 : i64, tpu.core_type = #tpu.core_type<tc>, window_params = [{pipeline_mode = #tpu.pipeline_mode<synchronous>, transform_indices = @transform_0, window_bounds = array<i64: 1, 1024>}, {transform_indices = @transform_1, window_bounds = array<i64: 32, 1024>}, {pipeline_mode = #tpu.pipeline_mode<synchronous>, transform_indices = @transform_2, window_bounds = array<i64: 2, 64>}, {pipeline_mode = #tpu.pipeline_mode<synchronous>, transform_indices = @transform_3, window_bounds = array<i64: 2, 64>}, {pipeline_mode = #tpu.pipeline_mode<synchronous>, transform_indices = @transform_4, window_bounds = array<i64: 2, 64>}, {pipeline_mode = #tpu.pipeline_mode<synchronous>, transform_indices = @transform_5, window_bounds = array<i64: 2, 64>}, {transform_indices = @transform_6, window_bounds = array<i64: 16, 64, 1024>}]} {
    %get3A = arith.constant 0 : index
    %get3A_0 = arith.constant 0 : index
    %get3A_1 = vector.load %arg4[%get3A, %get3A_0] : memref<2x64xf32, #tpu.memory_space<vmem>>, vector<2x64xf32>
    %get3A_2 = arith.constant 0 : index
    %get3A_3 = arith.constant 0 : index
    %get3A_4 = vector.load %arg3[%get3A_2, %get3A_3] : memref<2x64xf32, #tpu.memory_space<vmem>>, vector<2x64xf32>
    %get3A_5 = arith.constant 0 : index
    %get3A_6 = arith.constant 0 : index
    %get3A_7 = vector.load %arg6[%get3A_5, %get3A_6] : memref<2x64xf32, #tpu.memory_space<vmem>>, vector<2x64xf32>
    %get3A_8 = arith.constant 0 : index
    %get3A_9 = arith.constant 0 : index
    %get3A_10 = vector.load %arg5[%get3A_8, %get3A_9] : memref<2x64xf32, #tpu.memory_space<vmem>>, vector<2x64xf32>
    %slice3A = vector.extract_strided_slice %get3A_1 {offsets = [0, 0], sizes = [1, 64], strides = [1, 1]} : vector<2x64xf32> to vector<1x64xf32>
    %squeeze3A = vector.shape_cast %slice3A : vector<1x64xf32> to vector<64xf32>
    %slice3A_11 = vector.extract_strided_slice %get3A_7 {offsets = [0, 0], sizes = [1, 64], strides = [1, 1]} : vector<2x64xf32> to vector<1x64xf32>
    %squeeze3A_12 = vector.shape_cast %slice3A_11 : vector<1x64xf32> to vector<64xf32>
    %add3A = arith.addf %squeeze3A, %squeeze3A_12 : vector<64xf32>
    %broadcast_in_dim3A = vector.shape_cast %add3A : vector<64xf32> to vector<1x64xf32>
    %slice3A_13 = vector.extract_strided_slice %get3A_1 {offsets = [1, 0], sizes = [1, 64], strides = [1, 1]} : vector<2x64xf32> to vector<1x64xf32>
    %squeeze3A_14 = vector.shape_cast %slice3A_13 : vector<1x64xf32> to vector<64xf32>
    %slice3A_15 = vector.extract_strided_slice %get3A_7 {offsets = [1, 0], sizes = [1, 64], strides = [1, 1]} : vector<2x64xf32> to vector<1x64xf32>
    %squeeze3A_16 = vector.shape_cast %slice3A_15 : vector<1x64xf32> to vector<64xf32>
    %add3A_17 = arith.addf %squeeze3A_14, %squeeze3A_16 : vector<64xf32>
    %broadcast_in_dim3A_18 = vector.shape_cast %add3A_17 : vector<64xf32> to vector<1x64xf32>
    %sub3A = arith.subf %broadcast_in_dim3A_18, %broadcast_in_dim3A : vector<1x64xf32>
    %slice3A_19 = vector.extract_strided_slice %get3A_4 {offsets = [0, 0], sizes = [1, 64], strides = [1, 1]} : vector<2x64xf32> to vector<1x64xf32>
    %squeeze3A_20 = vector.shape_cast %slice3A_19 : vector<1x64xf32> to vector<64xf32>
    %slice3A_21 = vector.extract_strided_slice %get3A_1 {offsets = [0, 0], sizes = [1, 64], strides = [1, 1]} : vector<2x64xf32> to vector<1x64xf32>
    %squeeze3A_22 = vector.shape_cast %slice3A_21 : vector<1x64xf32> to vector<64xf32>
    %sub3A_23 = arith.subf %squeeze3A_20, %squeeze3A_22 : vector<64xf32>
    %mul3A = arith.constant 1.000000e-03 : f32
    %mul3A_24 = vector.broadcast %mul3A : f32 to vector<64xf32>
    %mul3A_25 = arith.mulf %sub3A_23, %mul3A_24 : vector<64xf32>
    %broadcast_in_dim3A_26 = vector.shape_cast %mul3A_25 : vector<64xf32> to vector<1x64xf32>
    %slice3A_27 = vector.extract_strided_slice %get3A_4 {offsets = [1, 0], sizes = [1, 64], strides = [1, 1]} : vector<2x64xf32> to vector<1x64xf32>
    %squeeze3A_28 = vector.shape_cast %slice3A_27 : vector<1x64xf32> to vector<64xf32>
    %slice3A_29 = vector.extract_strided_slice %get3A_1 {offsets = [1, 0], sizes = [1, 64], strides = [1, 1]} : vector<2x64xf32> to vector<1x64xf32>
    %squeeze3A_30 = vector.shape_cast %slice3A_29 : vector<1x64xf32> to vector<64xf32>
    %sub3A_31 = arith.subf %squeeze3A_28, %squeeze3A_30 : vector<64xf32>
    %mul3A_32 = arith.constant 1.000000e-03 : f32
    %mul3A_33 = vector.broadcast %mul3A_32 : f32 to vector<64xf32>
    %mul3A_34 = arith.mulf %sub3A_31, %mul3A_33 : vector<64xf32>
    %broadcast_in_dim3A_35 = vector.shape_cast %mul3A_34 : vector<64xf32> to vector<1x64xf32>
    %sub3A_36 = arith.subf %broadcast_in_dim3A_35, %broadcast_in_dim3A_26 : vector<1x64xf32>
    %slice3A_37 = vector.extract_strided_slice %get3A_10 {offsets = [0, 0], sizes = [1, 64], strides = [1, 1]} : vector<2x64xf32> to vector<1x64xf32>
    %squeeze3A_38 = vector.shape_cast %slice3A_37 : vector<1x64xf32> to vector<64xf32>
    %slice3A_39 = vector.extract_strided_slice %get3A_7 {offsets = [0, 0], sizes = [1, 64], strides = [1, 1]} : vector<2x64xf32> to vector<1x64xf32>
    %squeeze3A_40 = vector.shape_cast %slice3A_39 : vector<1x64xf32> to vector<64xf32>
    %sub3A_41 = arith.subf %squeeze3A_38, %squeeze3A_40 : vector<64xf32>
    %mul3A_42 = arith.constant 2.000000e-03 : f32
    %mul3A_43 = vector.broadcast %mul3A_42 : f32 to vector<64xf32>
    %mul3A_44 = arith.mulf %sub3A_41, %mul3A_43 : vector<64xf32>
    %broadcast_in_dim3A_45 = vector.shape_cast %mul3A_44 : vector<64xf32> to vector<1x64xf32>
    %slice3A_46 = vector.extract_strided_slice %get3A_10 {offsets = [1, 0], sizes = [1, 64], strides = [1, 1]} : vector<2x64xf32> to vector<1x64xf32>
    %squeeze3A_47 = vector.shape_cast %slice3A_46 : vector<1x64xf32> to vector<64xf32>
    %slice3A_48 = vector.extract_strided_slice %get3A_7 {offsets = [1, 0], sizes = [1, 64], strides = [1, 1]} : vector<2x64xf32> to vector<1x64xf32>
    %squeeze3A_49 = vector.shape_cast %slice3A_48 : vector<1x64xf32> to vector<64xf32>
    %sub3A_50 = arith.subf %squeeze3A_47, %squeeze3A_49 : vector<64xf32>
    %mul3A_51 = arith.constant 2.000000e-03 : f32
    %mul3A_52 = vector.broadcast %mul3A_51 : f32 to vector<64xf32>
    %mul3A_53 = arith.mulf %sub3A_50, %mul3A_52 : vector<64xf32>
    %broadcast_in_dim3A_54 = vector.shape_cast %mul3A_53 : vector<64xf32> to vector<1x64xf32>
    %sub3A_55 = arith.subf %broadcast_in_dim3A_54, %broadcast_in_dim3A_45 : vector<1x64xf32>
    %broadcast_in_dim3A_56 = arith.constant 0.000000e+00 : f32
    %broadcast_in_dim3A_57 = vector.broadcast %broadcast_in_dim3A_56 : f32 to vector<2x64xf32>
    %concatenate3A = tpu.concatenate %broadcast_in_dim3A, %broadcast_in_dim3A_26, %broadcast_in_dim3A_45, %sub3A, %sub3A_36, %sub3A_55, %broadcast_in_dim3A_57 in 0 : vector<1x64xf32>, vector<1x64xf32>, vector<1x64xf32>, vector<1x64xf32>, vector<1x64xf32>, vector<1x64xf32>, vector<2x64xf32> -> vector<8x64xf32>
    %convert_element_type3A = arith.truncf %concatenate3A : vector<8x64xf32> to vector<8x64xbf16>
    %get3A_58 = arith.constant 0 : index
    %get3A_59 = arith.constant 0 : index
    %get3A_60 = vector.load %arg1[%get3A_58, %get3A_59] : memref<1x1024xi32, #tpu.memory_space<vmem>>, vector<1x1024xi32>
    %get3A_61 = arith.constant 0 : index
    %get3A_62 = arith.constant 0 : index
    %get3A_63 = vector.load %arg2[%get3A_61, %get3A_62] : memref<32x1024xf32, #tpu.memory_space<vmem>>, vector<32x1024xf32>
    %broadcast_in_dim3A_64 = arith.constant 1.000000e+00 : f32
    %broadcast_in_dim3A_65 = vector.broadcast %broadcast_in_dim3A_64 : f32 to vector<1x1024xf32>
    %broadcast_in_dim3A_66 = arith.constant 0.000000e+00 : f32
    %broadcast_in_dim3A_67 = vector.broadcast %broadcast_in_dim3A_66 : f32 to vector<2x1024xf32>
    %mul3A_68 = arith.constant 16 : i32
    %mul3A_69 = arith.muli %mul3A_68, %arg0 : i32
    %add3A_70 = arith.constant 0 : i32
    %add3A_71 = arith.addi %mul3A_69, %add3A_70 : i32
    %jit3A = arith.constant 20 : i32
    %div3A = arith.divsi %add3A_71, %jit3A : i32
    %sign3A = arith.constant 0 : i32
    %sign3A_72 = arith.cmpi sgt, %add3A_71, %sign3A : i32
    %sign3A_73 = arith.extui %sign3A_72 : i1 to i32
    %sign3A_74 = arith.constant 0 : i32
    %sign3A_75 = arith.cmpi slt, %add3A_71, %sign3A_74 : i32
    %sign3A_76 = arith.extui %sign3A_75 : i1 to i32
    %sign3A_77 = arith.subi %sign3A_73, %sign3A_76 : i32
    %sign3A_78 = arith.constant 0 : i32
    %sign3A_79 = arith.cmpi sgt, %jit3A, %sign3A_78 : i32
    %sign3A_80 = arith.extui %sign3A_79 : i1 to i32
    %sign3A_81 = arith.constant 0 : i32
    %sign3A_82 = arith.cmpi slt, %jit3A, %sign3A_81 : i32
    %sign3A_83 = arith.extui %sign3A_82 : i1 to i32
    %sign3A_84 = arith.subi %sign3A_80, %sign3A_83 : i32
    %ne3A = arith.cmpi ne, %sign3A_77, %sign3A_84 : i32
    %rem3A = arith.remsi %add3A_71, %jit3A : i32
    %ne3A_85 = arith.constant 0 : i32
    %ne3A_86 = arith.cmpi ne, %rem3A, %ne3A_85 : i32
    %and3A = arith.andi %ne3A, %ne3A_86 : i1
    %sub3A_87 = arith.constant 1 : i32
    %sub3A_88 = arith.subi %div3A, %sub3A_87 : i32
    %select_n3A = arith.select %and3A, %sub3A_88, %div3A : i32
    %jit3A_89 = arith.constant 20 : i32
    %eq3A = arith.constant 0 : i32
    %eq3A_90 = arith.cmpi eq, %jit3A_89, %eq3A : i32
    %jit3A_91 = arith.constant 1 : i32
    %select_n3A_92 = arith.select %eq3A_90, %jit3A_91, %jit3A_89 : i32
    %rem3A_93 = arith.remsi %add3A_71, %select_n3A_92 : i32
    %ne3A_94 = arith.constant 0 : i32
    %ne3A_95 = arith.cmpi ne, %rem3A_93, %ne3A_94 : i32
    %lt3A = arith.constant 0 : i32
    %lt3A_96 = arith.cmpi slt, %rem3A_93, %lt3A : i32
    %lt3A_97 = arith.constant 0 : i32
    %lt3A_98 = arith.cmpi slt, %select_n3A_92, %lt3A_97 : i32
    %ne3A_99 = arith.xori %lt3A_96, %lt3A_98 : i1
    %and3A_100 = arith.andi %ne3A_99, %ne3A_95 : i1
    %add3A_101 = arith.addi %rem3A_93, %select_n3A_92 : i32
    %select_n3A_102 = arith.select %and3A_100, %add3A_101, %rem3A_93 : i32
    %lt3A_103 = vector.broadcast %select_n3A : i32 to vector<1x1024xi32>
    %lt3A_104 = arith.cmpi slt, %lt3A_103, %get3A_60 : vector<1x1024xi32>
    %lt3A_105 = vector.broadcast %select_n3A_102 : i32 to vector<1x1024xi32>
    %lt3A_106 = arith.cmpi slt, %lt3A_105, %get3A_60 : vector<1x1024xi32>
    %and3A_107 = arith.andi %lt3A_104, %lt3A_106 : vector<1x1024xi1>
    %convert_element_type3A_108 = arith.extui %and3A_107 : vector<1x1024xi1> to vector<1x1024xi32>
    %convert_element_type3A_109 = arith.sitofp %convert_element_type3A_108 : vector<1x1024xi32> to vector<1x1024xf32>
    %slice3A_110 = vector.extract_strided_slice %get3A_63 {offsets = [0, 0], sizes = [1, 1024], strides = [1, 1]} : vector<32x1024xf32> to vector<1x1024xf32>
    %slice3A_111 = vector.extract_strided_slice %get3A_63 {offsets = [1, 0], sizes = [1, 1024], strides = [1, 1]} : vector<32x1024xf32> to vector<1x1024xf32>
    %mul3A_112 = arith.mulf %convert_element_type3A_109, %slice3A_110 : vector<1x1024xf32>
    %mul3A_113 = arith.mulf %convert_element_type3A_109, %slice3A_111 : vector<1x1024xf32>
    %concatenate3A_114 = tpu.concatenate %broadcast_in_dim3A_65, %slice3A_110, %slice3A_111, %convert_element_type3A_109, %mul3A_112, %mul3A_113, %broadcast_in_dim3A_67 in 0 : vector<1x1024xf32>, vector<1x1024xf32>, vector<1x1024xf32>, vector<1x1024xf32>, vector<1x1024xf32>, vector<1x1024xf32>, vector<2x1024xf32> -> vector<8x1024xf32>
    %convert_element_type3A_115 = arith.truncf %concatenate3A_114 : vector<8x1024xf32> to vector<8x1024xbf16>
    %dot_general3A = arith.constant dense<0.000000e+00> : vector<64x1024xf32>
    %dot_general3A_116 = tpu.matmul %convert_element_type3A, %convert_element_type3A_115, %dot_general3A {dimension_numbers = #tpu.dot_dimension_numbers<[0], [0], [1], [1], [0, 1, 1, 1], [], []>, transpose_lhs_hint = false} : vector<8x64xbf16>, vector<8x1024xbf16>, vector<64x1024xf32> -> vector<64x1024xf32>
    %swap3A = arith.constant 0 : index
    %swap3A_117 = arith.constant 0 : index
    %swap3A_118 = arith.constant 0 : index
    %swap3A_119 = vector.load %arg7[%swap3A, %swap3A_117, %swap3A_118] : memref<16x64x1024xf32, #tpu.memory_space<vmem>>, vector<1x64x1024xf32>
    %swap3A_120 = vector.shape_cast %swap3A_119 : vector<1x64x1024xf32> to vector<64x1024xf32>
    %swap3A_121 = vector.shape_cast %dot_general3A_116 : vector<64x1024xf32> to vector<1x64x1024xf32>
    tpu.vector_store %arg7[%swap3A, %swap3A_117, %swap3A_118], %swap3A_121 {strides = array<i32>} : memref<16x64x1024xf32, #tpu.memory_space<vmem>>, vector<1x64x1024xf32>,
    %mul3A_122 = arith.constant 16 : i32
    %mul3A_123 = arith.muli %mul3A_122, %arg0 : i32
    %add3A_124 = arith.constant 1 : i32
    %add3A_125 = arith.addi %mul3A_123, %add3A_124 : i32
    %jit3A_126 = arith.constant 20 : i32
    %div3A_127 = arith.divsi %add3A_125, %jit3A_126 : i32
    %sign3A_128 = arith.constant 0 : i32
    %sign3A_129 = arith.cmpi sgt, %add3A_125, %sign3A_128 : i32
    %sign3A_130 = arith.extui %sign3A_129 : i1 to i32
    %sign3A_131 = arith.constant 0 : i32
    %sign3A_132 = arith.cmpi slt, %add3A_125, %sign3A_131 : i32
    %sign3A_133 = arith.extui %sign3A_132 : i1 to i32
    %sign3A_134 = arith.subi %sign3A_130, %sign3A_133 : i32
    %sign3A_135 = arith.constant 0 : i32
    %sign3A_136 = arith.cmpi sgt, %jit3A_126, %sign3A_135 : i32
    %sign3A_137 = arith.extui %sign3A_136 : i1 to i32
    %sign3A_138 = arith.constant 0 : i32
    %sign3A_139 = arith.cmpi slt, %jit3A_126, %sign3A_138 : i32
    %sign3A_140 = arith.extui %sign3A_139 : i1 to i32
    %sign3A_141 = arith.subi %sign3A_137, %sign3A_140 : i32
    %ne3A_142 = arith.cmpi ne, %sign3A_134, %sign3A_141 : i32
    %rem3A_143 = arith.remsi %add3A_125, %jit3A_126 : i32
    %ne3A_144 = arith.constant 0 : i32
    %ne3A_145 = arith.cmpi ne, %rem3A_143, %ne3A_144 : i32
    %and3A_146 = arith.andi %ne3A_142, %ne3A_145 : i1
    %sub3A_147 = arith.constant 1 : i32
    %sub3A_148 = arith.subi %div3A_127, %sub3A_147 : i32
    %select_n3A_149 = arith.select %and3A_146, %sub3A_148, %div3A_127 : i32
    %jit3A_150 = arith.constant 20 : i32
    %eq3A_151 = arith.constant 0 : i32
    %eq3A_152 = arith.cmpi eq, %jit3A_150, %eq3A_151 : i32
    %jit3A_153 = arith.constant 1 : i32
    %select_n3A_154 = arith.select %eq3A_152, %jit3A_153, %jit3A_150 : i32
    %rem3A_155 = arith.remsi %add3A_125, %select_n3A_154 : i32
    %ne3A_156 = arith.constant 0 : i32
    %ne3A_157 = arith.cmpi ne, %rem3A_155, %ne3A_156 : i32
    %lt3A_158 = arith.constant 0 : i32
    %lt3A_159 = arith.cmpi slt, %rem3A_155, %lt3A_158 : i32
    %lt3A_160 = arith.constant 0 : i32
    %lt3A_161 = arith.cmpi slt, %select_n3A_154, %lt3A_160 : i32
    %ne3A_162 = arith.xori %lt3A_159, %lt3A_161 : i1
    %and3A_163 = arith.andi %ne3A_162, %ne3A_157 : i1
    %add3A_164 = arith.addi %rem3A_155, %select_n3A_154 : i32
    %select_n3A_165 = arith.select %and3A_163, %add3A_164, %rem3A_155 : i32
    %lt3A_166 = vector.broadcast %select_n3A_149 : i32 to vector<1x1024xi32>
    %lt3A_167 = arith.cmpi slt, %lt3A_166, %get3A_60 : vector<1x1024xi32>
    %lt3A_168 = vector.broadcast %select_n3A_165 : i32 to vector<1x1024xi32>
    %lt3A_169 = arith.cmpi slt, %lt3A_168, %get3A_60 : vector<1x1024xi32>
    %and3A_170 = arith.andi %lt3A_167, %lt3A_169 : vector<1x1024xi1>
    %convert_element_type3A_171 = arith.extui %and3A_170 : vector<1x1024xi1> to vector<1x1024xi32>
    %convert_element_type3A_172 = arith.sitofp %convert_element_type3A_171 : vector<1x1024xi32> to vector<1x1024xf32>
    %slice3A_173 = vector.extract_strided_slice %get3A_63 {offsets = [2, 0], sizes = [1, 1024], strides = [1, 1]} : vector<32x1024xf32> to vector<1x1024xf32>
    %slice3A_174 = vector.extract_strided_slice %get3A_63 {offsets = [3, 0], sizes = [1, 1024], strides = [1, 1]} : vector<32x1024xf32> to vector<1x1024xf32>
    %mul3A_175 = arith.mulf %convert_element_type3A_172, %slice3A_173 : vector<1x1024xf32>
    %mul3A_176 = arith.mulf %convert_element_type3A_172, %slice3A_174 : vector<1x1024xf32>
    %concatenate3A_177 = tpu.concatenate %broadcast_in_dim3A_65, %slice3A_173, %slice3A_174, %convert_element_type3A_172, %mul3A_175, %mul3A_176, %broadcast_in_dim3A_67 in 0 : vector<1x1024xf32>, vector<1x1024xf32>, vector<1x1024xf32>, vector<1x1024xf32>, vector<1x1024xf32>, vector<1x1024xf32>, vector<2x1024xf32> -> vector<8x1024xf32>
    %convert_element_type3A_178 = arith.truncf %concatenate3A_177 : vector<8x1024xf32> to vector<8x1024xbf16>
    %dot_general3A_179 = arith.constant dense<0.000000e+00> : vector<64x1024xf32>
    %dot_general3A_180 = tpu.matmul %convert_element_type3A, %convert_element_type3A_178, %dot_general3A_179 {dimension_numbers = #tpu.dot_dimension_numbers<[0], [0], [1], [1], [0, 1, 1, 1], [], []>, transpose_lhs_hint = false} : vector<8x64xbf16>, vector<8x1024xbf16>, vector<64x1024xf32> -> vector<64x1024xf32>
    %swap3A_181 = arith.constant 1 : index
    %swap3A_182 = arith.constant 0 : index
    %swap3A_183 = arith.constant 0 : index
    %swap3A_184 = vector.load %arg7[%swap3A_181, %swap3A_182, %swap3A_183] : memref<16x64x1024xf32, #tpu.memory_space<vmem>>, vector<1x64x1024xf32>
    %swap3A_185 = vector.shape_cast %swap3A_184 : vector<1x64x1024xf32> to vector<64x1024xf32>
    %swap3A_186 = vector.shape_cast %dot_general3A_180 : vector<64x1024xf32> to vector<1x64x1024xf32>
    tpu.vector_store %arg7[%swap3A_181, %swap3A_182, %swap3A_183], %swap3A_186 {strides = array<i32>} : memref<16x64x1024xf32, #tpu.memory_space<vmem>>, vector<1x64x1024xf32>,
    %mul3A_187 = arith.constant 16 : i32
    %mul3A_188 = arith.muli %mul3A_187, %arg0 : i32
    %add3A_189 = arith.constant 2 : i32
    %add3A_190 = arith.addi %mul3A_188, %add3A_189 : i32
    %jit3A_191 = arith.constant 20 : i32
    %div3A_192 = arith.divsi %add3A_190, %jit3A_191 : i32
    %sign3A_193 = arith.constant 0 : i32
    %sign3A_194 = arith.cmpi sgt, %add3A_190, %sign3A_193 : i32
    %sign3A_195 = arith.extui %sign3A_194 : i1 to i32
    %sign3A_196 = arith.constant 0 : i32
    %sign3A_197 = arith.cmpi slt, %add3A_190, %sign3A_196 : i32
    %sign3A_198 = arith.extui %sign3A_197 : i1 to i32
    %sign3A_199 = arith.subi %sign3A_195, %sign3A_198 : i32
    %sign3A_200 = arith.constant 0 : i32
    %sign3A_201 = arith.cmpi sgt, %jit3A_191, %sign3A_200 : i32
    %sign3A_202 = arith.extui %sign3A_201 : i1 to i32
    %sign3A_203 = arith.constant 0 : i32
    %sign3A_204 = arith.cmpi slt, %jit3A_191, %sign3A_203 : i32
    %sign3A_205 = arith.extui %sign3A_204 : i1 to i32
    %sign3A_206 = arith.subi %sign3A_202, %sign3A_205 : i32
    %ne3A_207 = arith.cmpi ne, %sign3A_199, %sign3A_206 : i32
    %rem3A_208 = arith.remsi %add3A_190, %jit3A_191 : i32
    %ne3A_209 = arith.constant 0 : i32
    %ne3A_210 = arith.cmpi ne, %rem3A_208, %ne3A_209 : i32
    %and3A_211 = arith.andi %ne3A_207, %ne3A_210 : i1
    %sub3A_212 = arith.constant 1 : i32
    %sub3A_213 = arith.subi %div3A_192, %sub3A_212 : i32
    %select_n3A_214 = arith.select %and3A_211, %sub3A_213, %div3A_192 : i32
    %jit3A_215 = arith.constant 20 : i32
    %eq3A_216 = arith.constant 0 : i32
    %eq3A_217 = arith.cmpi eq, %jit3A_215, %eq3A_216 : i32
    %jit3A_218 = arith.constant 1 : i32
    %select_n3A_219 = arith.select %eq3A_217, %jit3A_218, %jit3A_215 : i32
    %rem3A_220 = arith.remsi %add3A_190, %select_n3A_219 : i32
    %ne3A_221 = arith.constant 0 : i32
    %ne3A_222 = arith.cmpi ne, %rem3A_220, %ne3A_221 : i32
    %lt3A_223 = arith.constant 0 : i32
    %lt3A_224 = arith.cmpi slt, %rem3A_220, %lt3A_223 : i32
    %lt3A_225 = arith.constant 0 : i32
    %lt3A_226 = arith.cmpi slt, %select_n3A_219, %lt3A_225 : i32
    %ne3A_227 = arith.xori %lt3A_224, %lt3A_226 : i1
    %and3A_228 = arith.andi %ne3A_227, %ne3A_222 : i1
    %add3A_229 = arith.addi %rem3A_220, %select_n3A_219 : i32
    %select_n3A_230 = arith.select %and3A_228, %add3A_229, %rem3A_220 : i32
    %lt3A_231 = vector.broadcast %select_n3A_214 : i32 to vector<1x1024xi32>
    %lt3A_232 = arith.cmpi slt, %lt3A_231, %get3A_60 : vector<1x1024xi32>
    %lt3A_233 = vector.broadcast %select_n3A_230 : i32 to vector<1x1024xi32>
    %lt3A_234 = arith.cmpi slt, %lt3A_233, %get3A_60 : vector<1x1024xi32>
    %and3A_235 = arith.andi %lt3A_232, %lt3A_234 : vector<1x1024xi1>
    %convert_element_type3A_236 = arith.extui %and3A_235 : vector<1x1024xi1> to vector<1x1024xi32>
    %convert_element_type3A_237 = arith.sitofp %convert_element_type3A_236 : vector<1x1024xi32> to vector<1x1024xf32>
    %slice3A_238 = vector.extract_strided_slice %get3A_63 {offsets = [4, 0], sizes = [1, 1024], strides = [1, 1]} : vector<32x1024xf32> to vector<1x1024xf32>
    %slice3A_239 = vector.extract_strided_slice %get3A_63 {offsets = [5, 0], sizes = [1, 1024], strides = [1, 1]} : vector<32x1024xf32> to vector<1x1024xf32>
    %mul3A_240 = arith.mulf %convert_element_type3A_237, %slice3A_238 : vector<1x1024xf32>
    %mul3A_241 = arith.mulf %convert_element_type3A_237, %slice3A_239 : vector<1x1024xf32>
    %concatenate3A_242 = tpu.concatenate %broadcast_in_dim3A_65, %slice3A_238, %slice3A_239, %convert_element_type3A_237, %mul3A_240, %mul3A_241, %broadcast_in_dim3A_67 in 0 : vector<1x1024xf32>, vector<1x1024xf32>, vector<1x1024xf32>, vector<1x1024xf32>, vector<1x1024xf32>, vector<1x1024xf32>, vector<2x1024xf32> -> vector<8x1024xf32>
    %convert_element_type3A_243 = arith.truncf %concatenate3A_242 : vector<8x1024xf32> to vector<8x1024xbf16>
    %dot_general3A_244 = arith.constant dense<0.000000e+00> : vector<64x1024xf32>
    %dot_general3A_245 = tpu.matmul %convert_element_type3A, %convert_element_type3A_243, %dot_general3A_244 {dimension_numbers = #tpu.dot_dimension_numbers<[0], [0], [1], [1], [0, 1, 1, 1], [], []>, transpose_lhs_hint = false} : vector<8x64xbf16>, vector<8x1024xbf16>, vector<64x1024xf32> -> vector<64x1024xf32>
    %swap3A_246 = arith.constant 2 : index
    %swap3A_247 = arith.constant 0 : index
    %swap3A_248 = arith.constant 0 : index
    %swap3A_249 = vector.load %arg7[%swap3A_246, %swap3A_247, %swap3A_248] : memref<16x64x1024xf32, #tpu.memory_space<vmem>>, vector<1x64x1024xf32>
    %swap3A_250 = vector.shape_cast %swap3A_249 : vector<1x64x1024xf32> to vector<64x1024xf32>
    %swap3A_251 = vector.shape_cast %dot_general3A_245 : vector<64x1024xf32> to vector<1x64x1024xf32>
    tpu.vector_store %arg7[%swap3A_246, %swap3A_247, %swap3A_248], %swap3A_251 {strides = array<i32>} : memref<16x64x1024xf32, #tpu.memory_space<vmem>>, vector<1x64x1024xf32>,
    %mul3A_252 = arith.constant 16 : i32
    %mul3A_253 = arith.muli %mul3A_252, %arg0 : i32
    %add3A_254 = arith.constant 3 : i32
    %add3A_255 = arith.addi %mul3A_253, %add3A_254 : i32
    %jit3A_256 = arith.constant 20 : i32
    %div3A_257 = arith.divsi %add3A_255, %jit3A_256 : i32
    %sign3A_258 = arith.constant 0 : i32
    %sign3A_259 = arith.cmpi sgt, %add3A_255, %sign3A_258 : i32
    %sign3A_260 = arith.extui %sign3A_259 : i1 to i32
    %sign3A_261 = arith.constant 0 : i32
    %sign3A_262 = arith.cmpi slt, %add3A_255, %sign3A_261 : i32
    %sign3A_263 = arith.extui %sign3A_262 : i1 to i32
    %sign3A_264 = arith.subi %sign3A_260, %sign3A_263 : i32
    %sign3A_265 = arith.constant 0 : i32
    %sign3A_266 = arith.cmpi sgt, %jit3A_256, %sign3A_265 : i32
    %sign3A_267 = arith.extui %sign3A_266 : i1 to i32
    %sign3A_268 = arith.constant 0 : i32
    %sign3A_269 = arith.cmpi slt, %jit3A_256, %sign3A_268 : i32
    %sign3A_270 = arith.extui %sign3A_269 : i1 to i32
    %sign3A_271 = arith.subi %sign3A_267, %sign3A_270 : i32
    %ne3A_272 = arith.cmpi ne, %sign3A_264, %sign3A_271 : i32
    %rem3A_273 = arith.remsi %add3A_255, %jit3A_256 : i32
    %ne3A_274 = arith.constant 0 : i32
    %ne3A_275 = arith.cmpi ne, %rem3A_273, %ne3A_274 : i32
    %and3A_276 = arith.andi %ne3A_272, %ne3A_275 : i1
    %sub3A_277 = arith.constant 1 : i32
    %sub3A_278 = arith.subi %div3A_257, %sub3A_277 : i32
    %select_n3A_279 = arith.select %and3A_276, %sub3A_278, %div3A_257 : i32
    %jit3A_280 = arith.constant 20 : i32
    %eq3A_281 = arith.constant 0 : i32
    %eq3A_282 = arith.cmpi eq, %jit3A_280, %eq3A_281 : i32
    %jit3A_283 = arith.constant 1 : i32
    %select_n3A_284 = arith.select %eq3A_282, %jit3A_283, %jit3A_280 : i32
    %rem3A_285 = arith.remsi %add3A_255, %select_n3A_284 : i32
    %ne3A_286 = arith.constant 0 : i32
    %ne3A_287 = arith.cmpi ne, %rem3A_285, %ne3A_286 : i32
    %lt3A_288 = arith.constant 0 : i32
    %lt3A_289 = arith.cmpi slt, %rem3A_285, %lt3A_288 : i32
    %lt3A_290 = arith.constant 0 : i32
    %lt3A_291 = arith.cmpi slt, %select_n3A_284, %lt3A_290 : i32
    %ne3A_292 = arith.xori %lt3A_289, %lt3A_291 : i1
    %and3A_293 = arith.andi %ne3A_292, %ne3A_287 : i1
    %add3A_294 = arith.addi %rem3A_285, %select_n3A_284 : i32
    %select_n3A_295 = arith.select %and3A_293, %add3A_294, %rem3A_285 : i32
    %lt3A_296 = vector.broadcast %select_n3A_279 : i32 to vector<1x1024xi32>
    %lt3A_297 = arith.cmpi slt, %lt3A_296, %get3A_60 : vector<1x1024xi32>
    %lt3A_298 = vector.broadcast %select_n3A_295 : i32 to vector<1x1024xi32>
    %lt3A_299 = arith.cmpi slt, %lt3A_298, %get3A_60 : vector<1x1024xi32>
    %and3A_300 = arith.andi %lt3A_297, %lt3A_299 : vector<1x1024xi1>
    %convert_element_type3A_301 = arith.extui %and3A_300 : vector<1x1024xi1> to vector<1x1024xi32>
    %convert_element_type3A_302 = arith.sitofp %convert_element_type3A_301 : vector<1x1024xi32> to vector<1x1024xf32>
    %slice3A_303 = vector.extract_strided_slice %get3A_63 {offsets = [6, 0], sizes = [1, 1024], strides = [1, 1]} : vector<32x1024xf32> to vector<1x1024xf32>
    %slice3A_304 = vector.extract_strided_slice %get3A_63 {offsets = [7, 0], sizes = [1, 1024], strides = [1, 1]} : vector<32x1024xf32> to vector<1x1024xf32>
    %mul3A_305 = arith.mulf %convert_element_type3A_302, %slice3A_303 : vector<1x1024xf32>
    %mul3A_306 = arith.mulf %convert_element_type3A_302, %slice3A_304 : vector<1x1024xf32>
    %concatenate3A_307 = tpu.concatenate %broadcast_in_dim3A_65, %slice3A_303, %slice3A_304, %convert_element_type3A_302, %mul3A_305, %mul3A_306, %broadcast_in_dim3A_67 in 0 : vector<1x1024xf32>, vector<1x1024xf32>, vector<1x1024xf32>, vector<1x1024xf32>, vector<1x1024xf32>, vector<1x1024xf32>, vector<2x1024xf32> -> vector<8x1024xf32>
    %convert_element_type3A_308 = arith.truncf %concatenate3A_307 : vector<8x1024xf32> to vector<8x1024xbf16>
    %dot_general3A_309 = arith.constant dense<0.000000e+00> : vector<64x1024xf32>
    %dot_general3A_310 = tpu.matmul %convert_element_type3A, %convert_element_type3A_308, %dot_general3A_309 {dimension_numbers = #tpu.dot_dimension_numbers<[0], [0], [1], [1], [0, 1, 1, 1], [], []>, transpose_lhs_hint = false} : vector<8x64xbf16>, vector<8x1024xbf16>, vector<64x1024xf32> -> vector<64x1024xf32>
    %swap3A_311 = arith.constant 3 : index
    %swap3A_312 = arith.constant 0 : index
    %swap3A_313 = arith.constant 0 : index
    %swap3A_314 = vector.load %arg7[%swap3A_311, %swap3A_312, %swap3A_313] : memref<16x64x1024xf32, #tpu.memory_space<vmem>>, vector<1x64x1024xf32>
    %swap3A_315 = vector.shape_cast %swap3A_314 : vector<1x64x1024xf32> to vector<64x1024xf32>
    %swap3A_316 = vector.shape_cast %dot_general3A_310 : vector<64x1024xf32> to vector<1x64x1024xf32>
    tpu.vector_store %arg7[%swap3A_311, %swap3A_312, %swap3A_313], %swap3A_316 {strides = array<i32>} : memref<16x64x1024xf32, #tpu.memory_space<vmem>>, vector<1x64x1024xf32>,
    %mul3A_317 = arith.constant 16 : i32
    %mul3A_318 = arith.muli %mul3A_317, %arg0 : i32
    %add3A_319 = arith.constant 4 : i32
    %add3A_320 = arith.addi %mul3A_318, %add3A_319 : i32
    %jit3A_321 = arith.constant 20 : i32
    %div3A_322 = arith.divsi %add3A_320, %jit3A_321 : i32
    %sign3A_323 = arith.constant 0 : i32
    %sign3A_324 = arith.cmpi sgt, %add3A_320, %sign3A_323 : i32
    %sign3A_325 = arith.extui %sign3A_324 : i1 to i32
    %sign3A_326 = arith.constant 0 : i32
    %sign3A_327 = arith.cmpi slt, %add3A_320, %sign3A_326 : i32
    %sign3A_328 = arith.extui %sign3A_327 : i1 to i32
    %sign3A_329 = arith.subi %sign3A_325, %sign3A_328 : i32
    %sign3A_330 = arith.constant 0 : i32
    %sign3A_331 = arith.cmpi sgt, %jit3A_321, %sign3A_330 : i32
    %sign3A_332 = arith.extui %sign3A_331 : i1 to i32
    %sign3A_333 = arith.constant 0 : i32
    %sign3A_334 = arith.cmpi slt, %jit3A_321, %sign3A_333 : i32
    %sign3A_335 = arith.extui %sign3A_334 : i1 to i32
    %sign3A_336 = arith.subi %sign3A_332, %sign3A_335 : i32
    %ne3A_337 = arith.cmpi ne, %sign3A_329, %sign3A_336 : i32
    %rem3A_338 = arith.remsi %add3A_320, %jit3A_321 : i32
    %ne3A_339 = arith.constant 0 : i32
    %ne3A_340 = arith.cmpi ne, %rem3A_338, %ne3A_339 : i32
    %and3A_341 = arith.andi %ne3A_337, %ne3A_340 : i1
    %sub3A_342 = arith.constant 1 : i32
    %sub3A_343 = arith.subi %div3A_322, %sub3A_342 : i32
    %select_n3A_344 = arith.select %and3A_341, %sub3A_343, %div3A_322 : i32
    %jit3A_345 = arith.constant 20 : i32
    %eq3A_346 = arith.constant 0 : i32
    %eq3A_347 = arith.cmpi eq, %jit3A_345, %eq3A_346 : i32
    %jit3A_348 = arith.constant 1 : i32
    %select_n3A_349 = arith.select %eq3A_347, %jit3A_348, %jit3A_345 : i32
    %rem3A_350 = arith.remsi %add3A_320, %select_n3A_349 : i32
    %ne3A_351 = arith.constant 0 : i32
    %ne3A_352 = arith.cmpi ne, %rem3A_350, %ne3A_351 : i32
    %lt3A_353 = arith.constant 0 : i32
    %lt3A_354 = arith.cmpi slt, %rem3A_350, %lt3A_353 : i32
    %lt3A_355 = arith.constant 0 : i32
    %lt3A_356 = arith.cmpi slt, %select_n3A_349, %lt3A_355 : i32
    %ne3A_357 = arith.xori %lt3A_354, %lt3A_356 : i1
    %and3A_358 = arith.andi %ne3A_357, %ne3A_352 : i1
    %add3A_359 = arith.addi %rem3A_350, %select_n3A_349 : i32
    %select_n3A_360 = arith.select %and3A_358, %add3A_359, %rem3A_350 : i32
    %lt3A_361 = vector.broadcast %select_n3A_344 : i32 to vector<1x1024xi32>
    %lt3A_362 = arith.cmpi slt, %lt3A_361, %get3A_60 : vector<1x1024xi32>
    %lt3A_363 = vector.broadcast %select_n3A_360 : i32 to vector<1x1024xi32>
    %lt3A_364 = arith.cmpi slt, %lt3A_363, %get3A_60 : vector<1x1024xi32>
    %and3A_365 = arith.andi %lt3A_362, %lt3A_364 : vector<1x1024xi1>
    %convert_element_type3A_366 = arith.extui %and3A_365 : vector<1x1024xi1> to vector<1x1024xi32>
    %convert_element_type3A_367 = arith.sitofp %convert_element_type3A_366 : vector<1x1024xi32> to vector<1x1024xf32>
    %slice3A_368 = vector.extract_strided_slice %get3A_63 {offsets = [8, 0], sizes = [1, 1024], strides = [1, 1]} : vector<32x1024xf32> to vector<1x1024xf32>
    %slice3A_369 = vector.extract_strided_slice %get3A_63 {offsets = [9, 0], sizes = [1, 1024], strides = [1, 1]} : vector<32x1024xf32> to vector<1x1024xf32>
    %mul3A_370 = arith.mulf %convert_element_type3A_367, %slice3A_368 : vector<1x1024xf32>
    %mul3A_371 = arith.mulf %convert_element_type3A_367, %slice3A_369 : vector<1x1024xf32>
    %concatenate3A_372 = tpu.concatenate %broadcast_in_dim3A_65, %slice3A_368, %slice3A_369, %convert_element_type3A_367, %mul3A_370, %mul3A_371, %broadcast_in_dim3A_67 in 0 : vector<1x1024xf32>, vector<1x1024xf32>, vector<1x1024xf32>, vector<1x1024xf32>, vector<1x1024xf32>, vector<1x1024xf32>, vector<2x1024xf32> -> vector<8x1024xf32>
    %convert_element_type3A_373 = arith.truncf %concatenate3A_372 : vector<8x1024xf32> to vector<8x1024xbf16>
    %dot_general3A_374 = arith.constant dense<0.000000e+00> : vector<64x1024xf32>
    %dot_general3A_375 = tpu.matmul %convert_element_type3A, %convert_element_type3A_373, %dot_general3A_374 {dimension_numbers = #tpu.dot_dimension_numbers<[0], [0], [1], [1], [0, 1, 1, 1], [], []>, transpose_lhs_hint = false} : vector<8x64xbf16>, vector<8x1024xbf16>, vector<64x1024xf32> -> vector<64x1024xf32>
    %swap3A_376 = arith.constant 4 : index
    %swap3A_377 = arith.constant 0 : index
    %swap3A_378 = arith.constant 0 : index
    %swap3A_379 = vector.load %arg7[%swap3A_376, %swap3A_377, %swap3A_378] : memref<16x64x1024xf32, #tpu.memory_space<vmem>>, vector<1x64x1024xf32>
    %swap3A_380 = vector.shape_cast %swap3A_379 : vector<1x64x1024xf32> to vector<64x1024xf32>
    %swap3A_381 = vector.shape_cast %dot_general3A_375 : vector<64x1024xf32> to vector<1x64x1024xf32>
    tpu.vector_store %arg7[%swap3A_376, %swap3A_377, %swap3A_378], %swap3A_381 {strides = array<i32>} : memref<16x64x1024xf32, #tpu.memory_space<vmem>>, vector<1x64x1024xf32>,
    %mul3A_382 = arith.constant 16 : i32
    %mul3A_383 = arith.muli %mul3A_382, %arg0 : i32
    %add3A_384 = arith.constant 5 : i32
    %add3A_385 = arith.addi %mul3A_383, %add3A_384 : i32
    %jit3A_386 = arith.constant 20 : i32
    %div3A_387 = arith.divsi %add3A_385, %jit3A_386 : i32
    %sign3A_388 = arith.constant 0 : i32
    %sign3A_389 = arith.cmpi sgt, %add3A_385, %sign3A_388 : i32
    %sign3A_390 = arith.extui %sign3A_389 : i1 to i32
    %sign3A_391 = arith.constant 0 : i32
    %sign3A_392 = arith.cmpi slt, %add3A_385, %sign3A_391 : i32
    %sign3A_393 = arith.extui %sign3A_392 : i1 to i32
    %sign3A_394 = arith.subi %sign3A_390, %sign3A_393 : i32
    %sign3A_395 = arith.constant 0 : i32
    %sign3A_396 = arith.cmpi sgt, %jit3A_386, %sign3A_395 : i32
    %sign3A_397 = arith.extui %sign3A_396 : i1 to i32
    %sign3A_398 = arith.constant 0 : i32
    %sign3A_399 = arith.cmpi slt, %jit3A_386, %sign3A_398 : i32
    %sign3A_400 = arith.extui %sign3A_399 : i1 to i32
    %sign3A_401 = arith.subi %sign3A_397, %sign3A_400 : i32
    %ne3A_402 = arith.cmpi ne, %sign3A_394, %sign3A_401 : i32
    %rem3A_403 = arith.remsi %add3A_385, %jit3A_386 : i32
    %ne3A_404 = arith.constant 0 : i32
    %ne3A_405 = arith.cmpi ne, %rem3A_403, %ne3A_404 : i32
    %and3A_406 = arith.andi %ne3A_402, %ne3A_405 : i1
    %sub3A_407 = arith.constant 1 : i32
    %sub3A_408 = arith.subi %div3A_387, %sub3A_407 : i32
    %select_n3A_409 = arith.select %and3A_406, %sub3A_408, %div3A_387 : i32
    %jit3A_410 = arith.constant 20 : i32
    %eq3A_411 = arith.constant 0 : i32
    %eq3A_412 = arith.cmpi eq, %jit3A_410, %eq3A_411 : i32
    %jit3A_413 = arith.constant 1 : i32
    %select_n3A_414 = arith.select %eq3A_412, %jit3A_413, %jit3A_410 : i32
    %rem3A_415 = arith.remsi %add3A_385, %select_n3A_414 : i32
    %ne3A_416 = arith.constant 0 : i32
    %ne3A_417 = arith.cmpi ne, %rem3A_415, %ne3A_416 : i32
    %lt3A_418 = arith.constant 0 : i32
    %lt3A_419 = arith.cmpi slt, %rem3A_415, %lt3A_418 : i32
    %lt3A_420 = arith.constant 0 : i32
    %lt3A_421 = arith.cmpi slt, %select_n3A_414, %lt3A_420 : i32
    %ne3A_422 = arith.xori %lt3A_419, %lt3A_421 : i1
    %and3A_423 = arith.andi %ne3A_422, %ne3A_417 : i1
    %add3A_424 = arith.addi %rem3A_415, %select_n3A_414 : i32
    %select_n3A_425 = arith.select %and3A_423, %add3A_424, %rem3A_415 : i32
    %lt3A_426 = vector.broadcast %select_n3A_409 : i32 to vector<1x1024xi32>
    %lt3A_427 = arith.cmpi slt, %lt3A_426, %get3A_60 : vector<1x1024xi32>
    %lt3A_428 = vector.broadcast %select_n3A_425 : i32 to vector<1x1024xi32>
    %lt3A_429 = arith.cmpi slt, %lt3A_428, %get3A_60 : vector<1x1024xi32>
    %and3A_430 = arith.andi %lt3A_427, %lt3A_429 : vector<1x1024xi1>
    %convert_element_type3A_431 = arith.extui %and3A_430 : vector<1x1024xi1> to vector<1x1024xi32>
    %convert_element_type3A_432 = arith.sitofp %convert_element_type3A_431 : vector<1x1024xi32> to vector<1x1024xf32>
    %slice3A_433 = vector.extract_strided_slice %get3A_63 {offsets = [10, 0], sizes = [1, 1024], strides = [1, 1]} : vector<32x1024xf32> to vector<1x1024xf32>
    %slice3A_434 = vector.extract_strided_slice %get3A_63 {offsets = [11, 0], sizes = [1, 1024], strides = [1, 1]} : vector<32x1024xf32> to vector<1x1024xf32>
    %mul3A_435 = arith.mulf %convert_element_type3A_432, %slice3A_433 : vector<1x1024xf32>
    %mul3A_436 = arith.mulf %convert_element_type3A_432, %slice3A_434 : vector<1x1024xf32>
    %concatenate3A_437 = tpu.concatenate %broadcast_in_dim3A_65, %slice3A_433, %slice3A_434, %convert_element_type3A_432, %mul3A_435, %mul3A_436, %broadcast_in_dim3A_67 in 0 : vector<1x1024xf32>, vector<1x1024xf32>, vector<1x1024xf32>, vector<1x1024xf32>, vector<1x1024xf32>, vector<1x1024xf32>, vector<2x1024xf32> -> vector<8x1024xf32>
    %convert_element_type3A_438 = arith.truncf %concatenate3A_437 : vector<8x1024xf32> to vector<8x1024xbf16>
    %dot_general3A_439 = arith.constant dense<0.000000e+00> : vector<64x1024xf32>
    %dot_general3A_440 = tpu.matmul %convert_element_type3A, %convert_element_type3A_438, %dot_general3A_439 {dimension_numbers = #tpu.dot_dimension_numbers<[0], [0], [1], [1], [0, 1, 1, 1], [], []>, transpose_lhs_hint = false} : vector<8x64xbf16>, vector<8x1024xbf16>, vector<64x1024xf32> -> vector<64x1024xf32>
    %swap3A_441 = arith.constant 5 : index
    %swap3A_442 = arith.constant 0 : index
    %swap3A_443 = arith.constant 0 : index
    %swap3A_444 = vector.load %arg7[%swap3A_441, %swap3A_442, %swap3A_443] : memref<16x64x1024xf32, #tpu.memory_space<vmem>>, vector<1x64x1024xf32>
    %swap3A_445 = vector.shape_cast %swap3A_444 : vector<1x64x1024xf32> to vector<64x1024xf32>
    %swap3A_446 = vector.shape_cast %dot_general3A_440 : vector<64x1024xf32> to vector<1x64x1024xf32>
    tpu.vector_store %arg7[%swap3A_441, %swap3A_442, %swap3A_443], %swap3A_446 {strides = array<i32>} : memref<16x64x1024xf32, #tpu.memory_space<vmem>>, vector<1x64x1024xf32>,
    %mul3A_447 = arith.constant 16 : i32
    %mul3A_448 = arith.muli %mul3A_447, %arg0 : i32
    %add3A_449 = arith.constant 6 : i32
    %add3A_450 = arith.addi %mul3A_448, %add3A_449 : i32
    %jit3A_451 = arith.constant 20 : i32
    %div3A_452 = arith.divsi %add3A_450, %jit3A_451 : i32
    %sign3A_453 = arith.constant 0 : i32
    %sign3A_454 = arith.cmpi sgt, %add3A_450, %sign3A_453 : i32
    %sign3A_455 = arith.extui %sign3A_454 : i1 to i32
    %sign3A_456 = arith.constant 0 : i32
    %sign3A_457 = arith.cmpi slt, %add3A_450, %sign3A_456 : i32
    %sign3A_458 = arith.extui %sign3A_457 : i1 to i32
    %sign3A_459 = arith.subi %sign3A_455, %sign3A_458 : i32
    %sign3A_460 = arith.constant 0 : i32
    %sign3A_461 = arith.cmpi sgt, %jit3A_451, %sign3A_460 : i32
    %sign3A_462 = arith.extui %sign3A_461 : i1 to i32
    %sign3A_463 = arith.constant 0 : i32
    %sign3A_464 = arith.cmpi slt, %jit3A_451, %sign3A_463 : i32
    %sign3A_465 = arith.extui %sign3A_464 : i1 to i32
    %sign3A_466 = arith.subi %sign3A_462, %sign3A_465 : i32
    %ne3A_467 = arith.cmpi ne, %sign3A_459, %sign3A_466 : i32
    %rem3A_468 = arith.remsi %add3A_450, %jit3A_451 : i32
    %ne3A_469 = arith.constant 0 : i32
    %ne3A_470 = arith.cmpi ne, %rem3A_468, %ne3A_469 : i32
    %and3A_471 = arith.andi %ne3A_467, %ne3A_470 : i1
    %sub3A_472 = arith.constant 1 : i32
    %sub3A_473 = arith.subi %div3A_452, %sub3A_472 : i32
    %select_n3A_474 = arith.select %and3A_471, %sub3A_473, %div3A_452 : i32
    %jit3A_475 = arith.constant 20 : i32
    %eq3A_476 = arith.constant 0 : i32
    %eq3A_477 = arith.cmpi eq, %jit3A_475, %eq3A_476 : i32
    %jit3A_478 = arith.constant 1 : i32
    %select_n3A_479 = arith.select %eq3A_477, %jit3A_478, %jit3A_475 : i32
    %rem3A_480 = arith.remsi %add3A_450, %select_n3A_479 : i32
    %ne3A_481 = arith.constant 0 : i32
    %ne3A_482 = arith.cmpi ne, %rem3A_480, %ne3A_481 : i32
    %lt3A_483 = arith.constant 0 : i32
    %lt3A_484 = arith.cmpi slt, %rem3A_480, %lt3A_483 : i32
    %lt3A_485 = arith.constant 0 : i32
    %lt3A_486 = arith.cmpi slt, %select_n3A_479, %lt3A_485 : i32
    %ne3A_487 = arith.xori %lt3A_484, %lt3A_486 : i1
    %and3A_488 = arith.andi %ne3A_487, %ne3A_482 : i1
    %add3A_489 = arith.addi %rem3A_480, %select_n3A_479 : i32
    %select_n3A_490 = arith.select %and3A_488, %add3A_489, %rem3A_480 : i32
    %lt3A_491 = vector.broadcast %select_n3A_474 : i32 to vector<1x1024xi32>
    %lt3A_492 = arith.cmpi slt, %lt3A_491, %get3A_60 : vector<1x1024xi32>
    %lt3A_493 = vector.broadcast %select_n3A_490 : i32 to vector<1x1024xi32>
    %lt3A_494 = arith.cmpi slt, %lt3A_493, %get3A_60 : vector<1x1024xi32>
    %and3A_495 = arith.andi %lt3A_492, %lt3A_494 : vector<1x1024xi1>
    %convert_element_type3A_496 = arith.extui %and3A_495 : vector<1x1024xi1> to vector<1x1024xi32>
    %convert_element_type3A_497 = arith.sitofp %convert_element_type3A_496 : vector<1x1024xi32> to vector<1x1024xf32>
    %slice3A_498 = vector.extract_strided_slice %get3A_63 {offsets = [12, 0], sizes = [1, 1024], strides = [1, 1]} : vector<32x1024xf32> to vector<1x1024xf32>
    %slice3A_499 = vector.extract_strided_slice %get3A_63 {offsets = [13, 0], sizes = [1, 1024], strides = [1, 1]} : vector<32x1024xf32> to vector<1x1024xf32>
    %mul3A_500 = arith.mulf %convert_element_type3A_497, %slice3A_498 : vector<1x1024xf32>
    %mul3A_501 = arith.mulf %convert_element_type3A_497, %slice3A_499 : vector<1x1024xf32>
    %concatenate3A_502 = tpu.concatenate %broadcast_in_dim3A_65, %slice3A_498, %slice3A_499, %convert_element_type3A_497, %mul3A_500, %mul3A_501, %broadcast_in_dim3A_67 in 0 : vector<1x1024xf32>, vector<1x1024xf32>, vector<1x1024xf32>, vector<1x1024xf32>, vector<1x1024xf32>, vector<1x1024xf32>, vector<2x1024xf32> -> vector<8x1024xf32>
    %convert_element_type3A_503 = arith.truncf %concatenate3A_502 : vector<8x1024xf32> to vector<8x1024xbf16>
    %dot_general3A_504 = arith.constant dense<0.000000e+00> : vector<64x1024xf32>
    %dot_general3A_505 = tpu.matmul %convert_element_type3A, %convert_element_type3A_503, %dot_general3A_504 {dimension_numbers = #tpu.dot_dimension_numbers<[0], [0], [1], [1], [0, 1, 1, 1], [], []>, transpose_lhs_hint = false} : vector<8x64xbf16>, vector<8x1024xbf16>, vector<64x1024xf32> -> vector<64x1024xf32>
    %swap3A_506 = arith.constant 6 : index
    %swap3A_507 = arith.constant 0 : index
    %swap3A_508 = arith.constant 0 : index
    %swap3A_509 = vector.load %arg7[%swap3A_506, %swap3A_507, %swap3A_508] : memref<16x64x1024xf32, #tpu.memory_space<vmem>>, vector<1x64x1024xf32>
    %swap3A_510 = vector.shape_cast %swap3A_509 : vector<1x64x1024xf32> to vector<64x1024xf32>
    %swap3A_511 = vector.shape_cast %dot_general3A_505 : vector<64x1024xf32> to vector<1x64x1024xf32>
    tpu.vector_store %arg7[%swap3A_506, %swap3A_507, %swap3A_508], %swap3A_511 {strides = array<i32>} : memref<16x64x1024xf32, #tpu.memory_space<vmem>>, vector<1x64x1024xf32>,
    %mul3A_512 = arith.constant 16 : i32
    %mul3A_513 = arith.muli %mul3A_512, %arg0 : i32
    %add3A_514 = arith.constant 7 : i32
    %add3A_515 = arith.addi %mul3A_513, %add3A_514 : i32
    %jit3A_516 = arith.constant 20 : i32
    %div3A_517 = arith.divsi %add3A_515, %jit3A_516 : i32
    %sign3A_518 = arith.constant 0 : i32
    %sign3A_519 = arith.cmpi sgt, %add3A_515, %sign3A_518 : i32
    %sign3A_520 = arith.extui %sign3A_519 : i1 to i32
    %sign3A_521 = arith.constant 0 : i32
    %sign3A_522 = arith.cmpi slt, %add3A_515, %sign3A_521 : i32
    %sign3A_523 = arith.extui %sign3A_522 : i1 to i32
    %sign3A_524 = arith.subi %sign3A_520, %sign3A_523 : i32
    %sign3A_525 = arith.constant 0 : i32
    %sign3A_526 = arith.cmpi sgt, %jit3A_516, %sign3A_525 : i32
    %sign3A_527 = arith.extui %sign3A_526 : i1 to i32
    %sign3A_528 = arith.constant 0 : i32
    %sign3A_529 = arith.cmpi slt, %jit3A_516, %sign3A_528 : i32
    %sign3A_530 = arith.extui %sign3A_529 : i1 to i32
    %sign3A_531 = arith.subi %sign3A_527, %sign3A_530 : i32
    %ne3A_532 = arith.cmpi ne, %sign3A_524, %sign3A_531 : i32
    %rem3A_533 = arith.remsi %add3A_515, %jit3A_516 : i32
    %ne3A_534 = arith.constant 0 : i32
    %ne3A_535 = arith.cmpi ne, %rem3A_533, %ne3A_534 : i32
    %and3A_536 = arith.andi %ne3A_532, %ne3A_535 : i1
    %sub3A_537 = arith.constant 1 : i32
    %sub3A_538 = arith.subi %div3A_517, %sub3A_537 : i32
    %select_n3A_539 = arith.select %and3A_536, %sub3A_538, %div3A_517 : i32
    %jit3A_540 = arith.constant 20 : i32
    %eq3A_541 = arith.constant 0 : i32
    %eq3A_542 = arith.cmpi eq, %jit3A_540, %eq3A_541 : i32
    %jit3A_543 = arith.constant 1 : i32
    %select_n3A_544 = arith.select %eq3A_542, %jit3A_543, %jit3A_540 : i32
    %rem3A_545 = arith.remsi %add3A_515, %select_n3A_544 : i32
    %ne3A_546 = arith.constant 0 : i32
    %ne3A_547 = arith.cmpi ne, %rem3A_545, %ne3A_546 : i32
    %lt3A_548 = arith.constant 0 : i32
    %lt3A_549 = arith.cmpi slt, %rem3A_545, %lt3A_548 : i32
    %lt3A_550 = arith.constant 0 : i32
    %lt3A_551 = arith.cmpi slt, %select_n3A_544, %lt3A_550 : i32
    %ne3A_552 = arith.xori %lt3A_549, %lt3A_551 : i1
    %and3A_553 = arith.andi %ne3A_552, %ne3A_547 : i1
    %add3A_554 = arith.addi %rem3A_545, %select_n3A_544 : i32
    %select_n3A_555 = arith.select %and3A_553, %add3A_554, %rem3A_545 : i32
    %lt3A_556 = vector.broadcast %select_n3A_539 : i32 to vector<1x1024xi32>
    %lt3A_557 = arith.cmpi slt, %lt3A_556, %get3A_60 : vector<1x1024xi32>
    %lt3A_558 = vector.broadcast %select_n3A_555 : i32 to vector<1x1024xi32>
    %lt3A_559 = arith.cmpi slt, %lt3A_558, %get3A_60 : vector<1x1024xi32>
    %and3A_560 = arith.andi %lt3A_557, %lt3A_559 : vector<1x1024xi1>
    %convert_element_type3A_561 = arith.extui %and3A_560 : vector<1x1024xi1> to vector<1x1024xi32>
    %convert_element_type3A_562 = arith.sitofp %convert_element_type3A_561 : vector<1x1024xi32> to vector<1x1024xf32>
    %slice3A_563 = vector.extract_strided_slice %get3A_63 {offsets = [14, 0], sizes = [1, 1024], strides = [1, 1]} : vector<32x1024xf32> to vector<1x1024xf32>
    %slice3A_564 = vector.extract_strided_slice %get3A_63 {offsets = [15, 0], sizes = [1, 1024], strides = [1, 1]} : vector<32x1024xf32> to vector<1x1024xf32>
    %mul3A_565 = arith.mulf %convert_element_type3A_562, %slice3A_563 : vector<1x1024xf32>
    %mul3A_566 = arith.mulf %convert_element_type3A_562, %slice3A_564 : vector<1x1024xf32>
    %concatenate3A_567 = tpu.concatenate %broadcast_in_dim3A_65, %slice3A_563, %slice3A_564, %convert_element_type3A_562, %mul3A_565, %mul3A_566, %broadcast_in_dim3A_67 in 0 : vector<1x1024xf32>, vector<1x1024xf32>, vector<1x1024xf32>, vector<1x1024xf32>, vector<1x1024xf32>, vector<1x1024xf32>, vector<2x1024xf32> -> vector<8x1024xf32>
    %convert_element_type3A_568 = arith.truncf %concatenate3A_567 : vector<8x1024xf32> to vector<8x1024xbf16>
    %dot_general3A_569 = arith.constant dense<0.000000e+00> : vector<64x1024xf32>
    %dot_general3A_570 = tpu.matmul %convert_element_type3A, %convert_element_type3A_568, %dot_general3A_569 {dimension_numbers = #tpu.dot_dimension_numbers<[0], [0], [1], [1], [0, 1, 1, 1], [], []>, transpose_lhs_hint = false} : vector<8x64xbf16>, vector<8x1024xbf16>, vector<64x1024xf32> -> vector<64x1024xf32>
    %swap3A_571 = arith.constant 7 : index
    %swap3A_572 = arith.constant 0 : index
    %swap3A_573 = arith.constant 0 : index
    %swap3A_574 = vector.load %arg7[%swap3A_571, %swap3A_572, %swap3A_573] : memref<16x64x1024xf32, #tpu.memory_space<vmem>>, vector<1x64x1024xf32>
    %swap3A_575 = vector.shape_cast %swap3A_574 : vector<1x64x1024xf32> to vector<64x1024xf32>
    %swap3A_576 = vector.shape_cast %dot_general3A_570 : vector<64x1024xf32> to vector<1x64x1024xf32>
    tpu.vector_store %arg7[%swap3A_571, %swap3A_572, %swap3A_573], %swap3A_576 {strides = array<i32>} : memref<16x64x1024xf32, #tpu.memory_space<vmem>>, vector<1x64x1024xf32>,
    %mul3A_577 = arith.constant 16 : i32
    %mul3A_578 = arith.muli %mul3A_577, %arg0 : i32
    %add3A_579 = arith.constant 8 : i32
    %add3A_580 = arith.addi %mul3A_578, %add3A_579 : i32
    %jit3A_581 = arith.constant 20 : i32
    %div3A_582 = arith.divsi %add3A_580, %jit3A_581 : i32
    %sign3A_583 = arith.constant 0 : i32
    %sign3A_584 = arith.cmpi sgt, %add3A_580, %sign3A_583 : i32
    %sign3A_585 = arith.extui %sign3A_584 : i1 to i32
    %sign3A_586 = arith.constant 0 : i32
    %sign3A_587 = arith.cmpi slt, %add3A_580, %sign3A_586 : i32
    %sign3A_588 = arith.extui %sign3A_587 : i1 to i32
    %sign3A_589 = arith.subi %sign3A_585, %sign3A_588 : i32
    %sign3A_590 = arith.constant 0 : i32
    %sign3A_591 = arith.cmpi sgt, %jit3A_581, %sign3A_590 : i32
    %sign3A_592 = arith.extui %sign3A_591 : i1 to i32
    %sign3A_593 = arith.constant 0 : i32
    %sign3A_594 = arith.cmpi slt, %jit3A_581, %sign3A_593 : i32
    %sign3A_595 = arith.extui %sign3A_594 : i1 to i32
    %sign3A_596 = arith.subi %sign3A_592, %sign3A_595 : i32
    %ne3A_597 = arith.cmpi ne, %sign3A_589, %sign3A_596 : i32
    %rem3A_598 = arith.remsi %add3A_580, %jit3A_581 : i32
    %ne3A_599 = arith.constant 0 : i32
    %ne3A_600 = arith.cmpi ne, %rem3A_598, %ne3A_599 : i32
    %and3A_601 = arith.andi %ne3A_597, %ne3A_600 : i1
    %sub3A_602 = arith.constant 1 : i32
    %sub3A_603 = arith.subi %div3A_582, %sub3A_602 : i32
    %select_n3A_604 = arith.select %and3A_601, %sub3A_603, %div3A_582 : i32
    %jit3A_605 = arith.constant 20 : i32
    %eq3A_606 = arith.constant 0 : i32
    %eq3A_607 = arith.cmpi eq, %jit3A_605, %eq3A_606 : i32
    %jit3A_608 = arith.constant 1 : i32
    %select_n3A_609 = arith.select %eq3A_607, %jit3A_608, %jit3A_605 : i32
    %rem3A_610 = arith.remsi %add3A_580, %select_n3A_609 : i32
    %ne3A_611 = arith.constant 0 : i32
    %ne3A_612 = arith.cmpi ne, %rem3A_610, %ne3A_611 : i32
    %lt3A_613 = arith.constant 0 : i32
    %lt3A_614 = arith.cmpi slt, %rem3A_610, %lt3A_613 : i32
    %lt3A_615 = arith.constant 0 : i32
    %lt3A_616 = arith.cmpi slt, %select_n3A_609, %lt3A_615 : i32
    %ne3A_617 = arith.xori %lt3A_614, %lt3A_616 : i1
    %and3A_618 = arith.andi %ne3A_617, %ne3A_612 : i1
    %add3A_619 = arith.addi %rem3A_610, %select_n3A_609 : i32
    %select_n3A_620 = arith.select %and3A_618, %add3A_619, %rem3A_610 : i32
    %lt3A_621 = vector.broadcast %select_n3A_604 : i32 to vector<1x1024xi32>
    %lt3A_622 = arith.cmpi slt, %lt3A_621, %get3A_60 : vector<1x1024xi32>
    %lt3A_623 = vector.broadcast %select_n3A_620 : i32 to vector<1x1024xi32>
    %lt3A_624 = arith.cmpi slt, %lt3A_623, %get3A_60 : vector<1x1024xi32>
    %and3A_625 = arith.andi %lt3A_622, %lt3A_624 : vector<1x1024xi1>
    %convert_element_type3A_626 = arith.extui %and3A_625 : vector<1x1024xi1> to vector<1x1024xi32>
    %convert_element_type3A_627 = arith.sitofp %convert_element_type3A_626 : vector<1x1024xi32> to vector<1x1024xf32>
    %slice3A_628 = vector.extract_strided_slice %get3A_63 {offsets = [16, 0], sizes = [1, 1024], strides = [1, 1]} : vector<32x1024xf32> to vector<1x1024xf32>
    %slice3A_629 = vector.extract_strided_slice %get3A_63 {offsets = [17, 0], sizes = [1, 1024], strides = [1, 1]} : vector<32x1024xf32> to vector<1x1024xf32>
    %mul3A_630 = arith.mulf %convert_element_type3A_627, %slice3A_628 : vector<1x1024xf32>
    %mul3A_631 = arith.mulf %convert_element_type3A_627, %slice3A_629 : vector<1x1024xf32>
    %concatenate3A_632 = tpu.concatenate %broadcast_in_dim3A_65, %slice3A_628, %slice3A_629, %convert_element_type3A_627, %mul3A_630, %mul3A_631, %broadcast_in_dim3A_67 in 0 : vector<1x1024xf32>, vector<1x1024xf32>, vector<1x1024xf32>, vector<1x1024xf32>, vector<1x1024xf32>, vector<1x1024xf32>, vector<2x1024xf32> -> vector<8x1024xf32>
    %convert_element_type3A_633 = arith.truncf %concatenate3A_632 : vector<8x1024xf32> to vector<8x1024xbf16>
    %dot_general3A_634 = arith.constant dense<0.000000e+00> : vector<64x1024xf32>
    %dot_general3A_635 = tpu.matmul %convert_element_type3A, %convert_element_type3A_633, %dot_general3A_634 {dimension_numbers = #tpu.dot_dimension_numbers<[0], [0], [1], [1], [0, 1, 1, 1], [], []>, transpose_lhs_hint = false} : vector<8x64xbf16>, vector<8x1024xbf16>, vector<64x1024xf32> -> vector<64x1024xf32>
    %swap3A_636 = arith.constant 8 : index
    %swap3A_637 = arith.constant 0 : index
    %swap3A_638 = arith.constant 0 : index
    %swap3A_639 = vector.load %arg7[%swap3A_636, %swap3A_637, %swap3A_638] : memref<16x64x1024xf32, #tpu.memory_space<vmem>>, vector<1x64x1024xf32>
    %swap3A_640 = vector.shape_cast %swap3A_639 : vector<1x64x1024xf32> to vector<64x1024xf32>
    %swap3A_641 = vector.shape_cast %dot_general3A_635 : vector<64x1024xf32> to vector<1x64x1024xf32>
    tpu.vector_store %arg7[%swap3A_636, %swap3A_637, %swap3A_638], %swap3A_641 {strides = array<i32>} : memref<16x64x1024xf32, #tpu.memory_space<vmem>>, vector<1x64x1024xf32>,
    %mul3A_642 = arith.constant 16 : i32
    %mul3A_643 = arith.muli %mul3A_642, %arg0 : i32
    %add3A_644 = arith.constant 9 : i32
    %add3A_645 = arith.addi %mul3A_643, %add3A_644 : i32
    %jit3A_646 = arith.constant 20 : i32
    %div3A_647 = arith.divsi %add3A_645, %jit3A_646 : i32
    %sign3A_648 = arith.constant 0 : i32
    %sign3A_649 = arith.cmpi sgt, %add3A_645, %sign3A_648 : i32
    %sign3A_650 = arith.extui %sign3A_649 : i1 to i32
    %sign3A_651 = arith.constant 0 : i32
    %sign3A_652 = arith.cmpi slt, %add3A_645, %sign3A_651 : i32
    %sign3A_653 = arith.extui %sign3A_652 : i1 to i32
    %sign3A_654 = arith.subi %sign3A_650, %sign3A_653 : i32
    %sign3A_655 = arith.constant 0 : i32
    %sign3A_656 = arith.cmpi sgt, %jit3A_646, %sign3A_655 : i32
    %sign3A_657 = arith.extui %sign3A_656 : i1 to i32
    %sign3A_658 = arith.constant 0 : i32
    %sign3A_659 = arith.cmpi slt, %jit3A_646, %sign3A_658 : i32
    %sign3A_660 = arith.extui %sign3A_659 : i1 to i32
    %sign3A_661 = arith.subi %sign3A_657, %sign3A_660 : i32
    %ne3A_662 = arith.cmpi ne, %sign3A_654, %sign3A_661 : i32
    %rem3A_663 = arith.remsi %add3A_645, %jit3A_646 : i32
    %ne3A_664 = arith.constant 0 : i32
    %ne3A_665 = arith.cmpi ne, %rem3A_663, %ne3A_664 : i32
    %and3A_666 = arith.andi %ne3A_662, %ne3A_665 : i1
    %sub3A_667 = arith.constant 1 : i32
    %sub3A_668 = arith.subi %div3A_647, %sub3A_667 : i32
    %select_n3A_669 = arith.select %and3A_666, %sub3A_668, %div3A_647 : i32
    %jit3A_670 = arith.constant 20 : i32
    %eq3A_671 = arith.constant 0 : i32
    %eq3A_672 = arith.cmpi eq, %jit3A_670, %eq3A_671 : i32
    %jit3A_673 = arith.constant 1 : i32
    %select_n3A_674 = arith.select %eq3A_672, %jit3A_673, %jit3A_670 : i32
    %rem3A_675 = arith.remsi %add3A_645, %select_n3A_674 : i32
    %ne3A_676 = arith.constant 0 : i32
    %ne3A_677 = arith.cmpi ne, %rem3A_675, %ne3A_676 : i32
    %lt3A_678 = arith.constant 0 : i32
    %lt3A_679 = arith.cmpi slt, %rem3A_675, %lt3A_678 : i32
    %lt3A_680 = arith.constant 0 : i32
    %lt3A_681 = arith.cmpi slt, %select_n3A_674, %lt3A_680 : i32
    %ne3A_682 = arith.xori %lt3A_679, %lt3A_681 : i1
    %and3A_683 = arith.andi %ne3A_682, %ne3A_677 : i1
    %add3A_684 = arith.addi %rem3A_675, %select_n3A_674 : i32
    %select_n3A_685 = arith.select %and3A_683, %add3A_684, %rem3A_675 : i32
    %lt3A_686 = vector.broadcast %select_n3A_669 : i32 to vector<1x1024xi32>
    %lt3A_687 = arith.cmpi slt, %lt3A_686, %get3A_60 : vector<1x1024xi32>
    %lt3A_688 = vector.broadcast %select_n3A_685 : i32 to vector<1x1024xi32>
    %lt3A_689 = arith.cmpi slt, %lt3A_688, %get3A_60 : vector<1x1024xi32>
    %and3A_690 = arith.andi %lt3A_687, %lt3A_689 : vector<1x1024xi1>
    %convert_element_type3A_691 = arith.extui %and3A_690 : vector<1x1024xi1> to vector<1x1024xi32>
    %convert_element_type3A_692 = arith.sitofp %convert_element_type3A_691 : vector<1x1024xi32> to vector<1x1024xf32>
    %slice3A_693 = vector.extract_strided_slice %get3A_63 {offsets = [18, 0], sizes = [1, 1024], strides = [1, 1]} : vector<32x1024xf32> to vector<1x1024xf32>
    %slice3A_694 = vector.extract_strided_slice %get3A_63 {offsets = [19, 0], sizes = [1, 1024], strides = [1, 1]} : vector<32x1024xf32> to vector<1x1024xf32>
    %mul3A_695 = arith.mulf %convert_element_type3A_692, %slice3A_693 : vector<1x1024xf32>
    %mul3A_696 = arith.mulf %convert_element_type3A_692, %slice3A_694 : vector<1x1024xf32>
    %concatenate3A_697 = tpu.concatenate %broadcast_in_dim3A_65, %slice3A_693, %slice3A_694, %convert_element_type3A_692, %mul3A_695, %mul3A_696, %broadcast_in_dim3A_67 in 0 : vector<1x1024xf32>, vector<1x1024xf32>, vector<1x1024xf32>, vector<1x1024xf32>, vector<1x1024xf32>, vector<1x1024xf32>, vector<2x1024xf32> -> vector<8x1024xf32>
    %convert_element_type3A_698 = arith.truncf %concatenate3A_697 : vector<8x1024xf32> to vector<8x1024xbf16>
    %dot_general3A_699 = arith.constant dense<0.000000e+00> : vector<64x1024xf32>
    %dot_general3A_700 = tpu.matmul %convert_element_type3A, %convert_element_type3A_698, %dot_general3A_699 {dimension_numbers = #tpu.dot_dimension_numbers<[0], [0], [1], [1], [0, 1, 1, 1], [], []>, transpose_lhs_hint = false} : vector<8x64xbf16>, vector<8x1024xbf16>, vector<64x1024xf32> -> vector<64x1024xf32>
    %swap3A_701 = arith.constant 9 : index
    %swap3A_702 = arith.constant 0 : index
    %swap3A_703 = arith.constant 0 : index
    %swap3A_704 = vector.load %arg7[%swap3A_701, %swap3A_702, %swap3A_703] : memref<16x64x1024xf32, #tpu.memory_space<vmem>>, vector<1x64x1024xf32>
    %swap3A_705 = vector.shape_cast %swap3A_704 : vector<1x64x1024xf32> to vector<64x1024xf32>
    %swap3A_706 = vector.shape_cast %dot_general3A_700 : vector<64x1024xf32> to vector<1x64x1024xf32>
    tpu.vector_store %arg7[%swap3A_701, %swap3A_702, %swap3A_703], %swap3A_706 {strides = array<i32>} : memref<16x64x1024xf32, #tpu.memory_space<vmem>>, vector<1x64x1024xf32>,
    %mul3A_707 = arith.constant 16 : i32
    %mul3A_708 = arith.muli %mul3A_707, %arg0 : i32
    %add3A_709 = arith.constant 10 : i32
    %add3A_710 = arith.addi %mul3A_708, %add3A_709 : i32
    %jit3A_711 = arith.constant 20 : i32
    %div3A_712 = arith.divsi %add3A_710, %jit3A_711 : i32
    %sign3A_713 = arith.constant 0 : i32
    %sign3A_714 = arith.cmpi sgt, %add3A_710, %sign3A_713 : i32
    %sign3A_715 = arith.extui %sign3A_714 : i1 to i32
    %sign3A_716 = arith.constant 0 : i32
    %sign3A_717 = arith.cmpi slt, %add3A_710, %sign3A_716 : i32
    %sign3A_718 = arith.extui %sign3A_717 : i1 to i32
    %sign3A_719 = arith.subi %sign3A_715, %sign3A_718 : i32
    %sign3A_720 = arith.constant 0 : i32
    %sign3A_721 = arith.cmpi sgt, %jit3A_711, %sign3A_720 : i32
    %sign3A_722 = arith.extui %sign3A_721 : i1 to i32
    %sign3A_723 = arith.constant 0 : i32
    %sign3A_724 = arith.cmpi slt, %jit3A_711, %sign3A_723 : i32
    %sign3A_725 = arith.extui %sign3A_724 : i1 to i32
    %sign3A_726 = arith.subi %sign3A_722, %sign3A_725 : i32
    %ne3A_727 = arith.cmpi ne, %sign3A_719, %sign3A_726 : i32
    %rem3A_728 = arith.remsi %add3A_710, %jit3A_711 : i32
    %ne3A_729 = arith.constant 0 : i32
    %ne3A_730 = arith.cmpi ne, %rem3A_728, %ne3A_729 : i32
    %and3A_731 = arith.andi %ne3A_727, %ne3A_730 : i1
    %sub3A_732 = arith.constant 1 : i32
    %sub3A_733 = arith.subi %div3A_712, %sub3A_732 : i32
    %select_n3A_734 = arith.select %and3A_731, %sub3A_733, %div3A_712 : i32
    %jit3A_735 = arith.constant 20 : i32
    %eq3A_736 = arith.constant 0 : i32
    %eq3A_737 = arith.cmpi eq, %jit3A_735, %eq3A_736 : i32
    %jit3A_738 = arith.constant 1 : i32
    %select_n3A_739 = arith.select %eq3A_737, %jit3A_738, %jit3A_735 : i32
    %rem3A_740 = arith.remsi %add3A_710, %select_n3A_739 : i32
    %ne3A_741 = arith.constant 0 : i32
    %ne3A_742 = arith.cmpi ne, %rem3A_740, %ne3A_741 : i32
    %lt3A_743 = arith.constant 0 : i32
    %lt3A_744 = arith.cmpi slt, %rem3A_740, %lt3A_743 : i32
    %lt3A_745 = arith.constant 0 : i32
    %lt3A_746 = arith.cmpi slt, %select_n3A_739, %lt3A_745 : i32
    %ne3A_747 = arith.xori %lt3A_744, %lt3A_746 : i1
    %and3A_748 = arith.andi %ne3A_747, %ne3A_742 : i1
    %add3A_749 = arith.addi %rem3A_740, %select_n3A_739 : i32
    %select_n3A_750 = arith.select %and3A_748, %add3A_749, %rem3A_740 : i32
    %lt3A_751 = vector.broadcast %select_n3A_734 : i32 to vector<1x1024xi32>
    %lt3A_752 = arith.cmpi slt, %lt3A_751, %get3A_60 : vector<1x1024xi32>
    %lt3A_753 = vector.broadcast %select_n3A_750 : i32 to vector<1x1024xi32>
    %lt3A_754 = arith.cmpi slt, %lt3A_753, %get3A_60 : vector<1x1024xi32>
    %and3A_755 = arith.andi %lt3A_752, %lt3A_754 : vector<1x1024xi1>
    %convert_element_type3A_756 = arith.extui %and3A_755 : vector<1x1024xi1> to vector<1x1024xi32>
    %convert_element_type3A_757 = arith.sitofp %convert_element_type3A_756 : vector<1x1024xi32> to vector<1x1024xf32>
    %slice3A_758 = vector.extract_strided_slice %get3A_63 {offsets = [20, 0], sizes = [1, 1024], strides = [1, 1]} : vector<32x1024xf32> to vector<1x1024xf32>
    %slice3A_759 = vector.extract_strided_slice %get3A_63 {offsets = [21, 0], sizes = [1, 1024], strides = [1, 1]} : vector<32x1024xf32> to vector<1x1024xf32>
    %mul3A_760 = arith.mulf %convert_element_type3A_757, %slice3A_758 : vector<1x1024xf32>
    %mul3A_761 = arith.mulf %convert_element_type3A_757, %slice3A_759 : vector<1x1024xf32>
    %concatenate3A_762 = tpu.concatenate %broadcast_in_dim3A_65, %slice3A_758, %slice3A_759, %convert_element_type3A_757, %mul3A_760, %mul3A_761, %broadcast_in_dim3A_67 in 0 : vector<1x1024xf32>, vector<1x1024xf32>, vector<1x1024xf32>, vector<1x1024xf32>, vector<1x1024xf32>, vector<1x1024xf32>, vector<2x1024xf32> -> vector<8x1024xf32>
    %convert_element_type3A_763 = arith.truncf %concatenate3A_762 : vector<8x1024xf32> to vector<8x1024xbf16>
    %dot_general3A_764 = arith.constant dense<0.000000e+00> : vector<64x1024xf32>
    %dot_general3A_765 = tpu.matmul %convert_element_type3A, %convert_element_type3A_763, %dot_general3A_764 {dimension_numbers = #tpu.dot_dimension_numbers<[0], [0], [1], [1], [0, 1, 1, 1], [], []>, transpose_lhs_hint = false} : vector<8x64xbf16>, vector<8x1024xbf16>, vector<64x1024xf32> -> vector<64x1024xf32>
    %swap3A_766 = arith.constant 10 : index
    %swap3A_767 = arith.constant 0 : index
    %swap3A_768 = arith.constant 0 : index
    %swap3A_769 = vector.load %arg7[%swap3A_766, %swap3A_767, %swap3A_768] : memref<16x64x1024xf32, #tpu.memory_space<vmem>>, vector<1x64x1024xf32>
    %swap3A_770 = vector.shape_cast %swap3A_769 : vector<1x64x1024xf32> to vector<64x1024xf32>
    %swap3A_771 = vector.shape_cast %dot_general3A_765 : vector<64x1024xf32> to vector<1x64x1024xf32>
    tpu.vector_store %arg7[%swap3A_766, %swap3A_767, %swap3A_768], %swap3A_771 {strides = array<i32>} : memref<16x64x1024xf32, #tpu.memory_space<vmem>>, vector<1x64x1024xf32>,
    %mul3A_772 = arith.constant 16 : i32
    %mul3A_773 = arith.muli %mul3A_772, %arg0 : i32
    %add3A_774 = arith.constant 11 : i32
    %add3A_775 = arith.addi %mul3A_773, %add3A_774 : i32
    %jit3A_776 = arith.constant 20 : i32
    %div3A_777 = arith.divsi %add3A_775, %jit3A_776 : i32
    %sign3A_778 = arith.constant 0 : i32
    %sign3A_779 = arith.cmpi sgt, %add3A_775, %sign3A_778 : i32
    %sign3A_780 = arith.extui %sign3A_779 : i1 to i32
    %sign3A_781 = arith.constant 0 : i32
    %sign3A_782 = arith.cmpi slt, %add3A_775, %sign3A_781 : i32
    %sign3A_783 = arith.extui %sign3A_782 : i1 to i32
    %sign3A_784 = arith.subi %sign3A_780, %sign3A_783 : i32
    %sign3A_785 = arith.constant 0 : i32
    %sign3A_786 = arith.cmpi sgt, %jit3A_776, %sign3A_785 : i32
    %sign3A_787 = arith.extui %sign3A_786 : i1 to i32
    %sign3A_788 = arith.constant 0 : i32
    %sign3A_789 = arith.cmpi slt, %jit3A_776, %sign3A_788 : i32
    %sign3A_790 = arith.extui %sign3A_789 : i1 to i32
    %sign3A_791 = arith.subi %sign3A_787, %sign3A_790 : i32
    %ne3A_792 = arith.cmpi ne, %sign3A_784, %sign3A_791 : i32
    %rem3A_793 = arith.remsi %add3A_775, %jit3A_776 : i32
    %ne3A_794 = arith.constant 0 : i32
    %ne3A_795 = arith.cmpi ne, %rem3A_793, %ne3A_794 : i32
    %and3A_796 = arith.andi %ne3A_792, %ne3A_795 : i1
    %sub3A_797 = arith.constant 1 : i32
    %sub3A_798 = arith.subi %div3A_777, %sub3A_797 : i32
    %select_n3A_799 = arith.select %and3A_796, %sub3A_798, %div3A_777 : i32
    %jit3A_800 = arith.constant 20 : i32
    %eq3A_801 = arith.constant 0 : i32
    %eq3A_802 = arith.cmpi eq, %jit3A_800, %eq3A_801 : i32
    %jit3A_803 = arith.constant 1 : i32
    %select_n3A_804 = arith.select %eq3A_802, %jit3A_803, %jit3A_800 : i32
    %rem3A_805 = arith.remsi %add3A_775, %select_n3A_804 : i32
    %ne3A_806 = arith.constant 0 : i32
    %ne3A_807 = arith.cmpi ne, %rem3A_805, %ne3A_806 : i32
    %lt3A_808 = arith.constant 0 : i32
    %lt3A_809 = arith.cmpi slt, %rem3A_805, %lt3A_808 : i32
    %lt3A_810 = arith.constant 0 : i32
    %lt3A_811 = arith.cmpi slt, %select_n3A_804, %lt3A_810 : i32
    %ne3A_812 = arith.xori %lt3A_809, %lt3A_811 : i1
    %and3A_813 = arith.andi %ne3A_812, %ne3A_807 : i1
    %add3A_814 = arith.addi %rem3A_805, %select_n3A_804 : i32
    %select_n3A_815 = arith.select %and3A_813, %add3A_814, %rem3A_805 : i32
    %lt3A_816 = vector.broadcast %select_n3A_799 : i32 to vector<1x1024xi32>
    %lt3A_817 = arith.cmpi slt, %lt3A_816, %get3A_60 : vector<1x1024xi32>
    %lt3A_818 = vector.broadcast %select_n3A_815 : i32 to vector<1x1024xi32>
    %lt3A_819 = arith.cmpi slt, %lt3A_818, %get3A_60 : vector<1x1024xi32>
    %and3A_820 = arith.andi %lt3A_817, %lt3A_819 : vector<1x1024xi1>
    %convert_element_type3A_821 = arith.extui %and3A_820 : vector<1x1024xi1> to vector<1x1024xi32>
    %convert_element_type3A_822 = arith.sitofp %convert_element_type3A_821 : vector<1x1024xi32> to vector<1x1024xf32>
    %slice3A_823 = vector.extract_strided_slice %get3A_63 {offsets = [22, 0], sizes = [1, 1024], strides = [1, 1]} : vector<32x1024xf32> to vector<1x1024xf32>
    %slice3A_824 = vector.extract_strided_slice %get3A_63 {offsets = [23, 0], sizes = [1, 1024], strides = [1, 1]} : vector<32x1024xf32> to vector<1x1024xf32>
    %mul3A_825 = arith.mulf %convert_element_type3A_822, %slice3A_823 : vector<1x1024xf32>
    %mul3A_826 = arith.mulf %convert_element_type3A_822, %slice3A_824 : vector<1x1024xf32>
    %concatenate3A_827 = tpu.concatenate %broadcast_in_dim3A_65, %slice3A_823, %slice3A_824, %convert_element_type3A_822, %mul3A_825, %mul3A_826, %broadcast_in_dim3A_67 in 0 : vector<1x1024xf32>, vector<1x1024xf32>, vector<1x1024xf32>, vector<1x1024xf32>, vector<1x1024xf32>, vector<1x1024xf32>, vector<2x1024xf32> -> vector<8x1024xf32>
    %convert_element_type3A_828 = arith.truncf %concatenate3A_827 : vector<8x1024xf32> to vector<8x1024xbf16>
    %dot_general3A_829 = arith.constant dense<0.000000e+00> : vector<64x1024xf32>
    %dot_general3A_830 = tpu.matmul %convert_element_type3A, %convert_element_type3A_828, %dot_general3A_829 {dimension_numbers = #tpu.dot_dimension_numbers<[0], [0], [1], [1], [0, 1, 1, 1], [], []>, transpose_lhs_hint = false} : vector<8x64xbf16>, vector<8x1024xbf16>, vector<64x1024xf32> -> vector<64x1024xf32>
    %swap3A_831 = arith.constant 11 : index
    %swap3A_832 = arith.constant 0 : index
    %swap3A_833 = arith.constant 0 : index
    %swap3A_834 = vector.load %arg7[%swap3A_831, %swap3A_832, %swap3A_833] : memref<16x64x1024xf32, #tpu.memory_space<vmem>>, vector<1x64x1024xf32>
    %swap3A_835 = vector.shape_cast %swap3A_834 : vector<1x64x1024xf32> to vector<64x1024xf32>
    %swap3A_836 = vector.shape_cast %dot_general3A_830 : vector<64x1024xf32> to vector<1x64x1024xf32>
    tpu.vector_store %arg7[%swap3A_831, %swap3A_832, %swap3A_833], %swap3A_836 {strides = array<i32>} : memref<16x64x1024xf32, #tpu.memory_space<vmem>>, vector<1x64x1024xf32>,
    %mul3A_837 = arith.constant 16 : i32
    %mul3A_838 = arith.muli %mul3A_837, %arg0 : i32
    %add3A_839 = arith.constant 12 : i32
    %add3A_840 = arith.addi %mul3A_838, %add3A_839 : i32
    %jit3A_841 = arith.constant 20 : i32
    %div3A_842 = arith.divsi %add3A_840, %jit3A_841 : i32
    %sign3A_843 = arith.constant 0 : i32
    %sign3A_844 = arith.cmpi sgt, %add3A_840, %sign3A_843 : i32
    %sign3A_845 = arith.extui %sign3A_844 : i1 to i32
    %sign3A_846 = arith.constant 0 : i32
    %sign3A_847 = arith.cmpi slt, %add3A_840, %sign3A_846 : i32
    %sign3A_848 = arith.extui %sign3A_847 : i1 to i32
    %sign3A_849 = arith.subi %sign3A_845, %sign3A_848 : i32
    %sign3A_850 = arith.constant 0 : i32
    %sign3A_851 = arith.cmpi sgt, %jit3A_841, %sign3A_850 : i32
    %sign3A_852 = arith.extui %sign3A_851 : i1 to i32
    %sign3A_853 = arith.constant 0 : i32
    %sign3A_854 = arith.cmpi slt, %jit3A_841, %sign3A_853 : i32
    %sign3A_855 = arith.extui %sign3A_854 : i1 to i32
    %sign3A_856 = arith.subi %sign3A_852, %sign3A_855 : i32
    %ne3A_857 = arith.cmpi ne, %sign3A_849, %sign3A_856 : i32
    %rem3A_858 = arith.remsi %add3A_840, %jit3A_841 : i32
    %ne3A_859 = arith.constant 0 : i32
    %ne3A_860 = arith.cmpi ne, %rem3A_858, %ne3A_859 : i32
    %and3A_861 = arith.andi %ne3A_857, %ne3A_860 : i1
    %sub3A_862 = arith.constant 1 : i32
    %sub3A_863 = arith.subi %div3A_842, %sub3A_862 : i32
    %select_n3A_864 = arith.select %and3A_861, %sub3A_863, %div3A_842 : i32
    %jit3A_865 = arith.constant 20 : i32
    %eq3A_866 = arith.constant 0 : i32
    %eq3A_867 = arith.cmpi eq, %jit3A_865, %eq3A_866 : i32
    %jit3A_868 = arith.constant 1 : i32
    %select_n3A_869 = arith.select %eq3A_867, %jit3A_868, %jit3A_865 : i32
    %rem3A_870 = arith.remsi %add3A_840, %select_n3A_869 : i32
    %ne3A_871 = arith.constant 0 : i32
    %ne3A_872 = arith.cmpi ne, %rem3A_870, %ne3A_871 : i32
    %lt3A_873 = arith.constant 0 : i32
    %lt3A_874 = arith.cmpi slt, %rem3A_870, %lt3A_873 : i32
    %lt3A_875 = arith.constant 0 : i32
    %lt3A_876 = arith.cmpi slt, %select_n3A_869, %lt3A_875 : i32
    %ne3A_877 = arith.xori %lt3A_874, %lt3A_876 : i1
    %and3A_878 = arith.andi %ne3A_877, %ne3A_872 : i1
    %add3A_879 = arith.addi %rem3A_870, %select_n3A_869 : i32
    %select_n3A_880 = arith.select %and3A_878, %add3A_879, %rem3A_870 : i32
    %lt3A_881 = vector.broadcast %select_n3A_864 : i32 to vector<1x1024xi32>
    %lt3A_882 = arith.cmpi slt, %lt3A_881, %get3A_60 : vector<1x1024xi32>
    %lt3A_883 = vector.broadcast %select_n3A_880 : i32 to vector<1x1024xi32>
    %lt3A_884 = arith.cmpi slt, %lt3A_883, %get3A_60 : vector<1x1024xi32>
    %and3A_885 = arith.andi %lt3A_882, %lt3A_884 : vector<1x1024xi1>
    %convert_element_type3A_886 = arith.extui %and3A_885 : vector<1x1024xi1> to vector<1x1024xi32>
    %convert_element_type3A_887 = arith.sitofp %convert_element_type3A_886 : vector<1x1024xi32> to vector<1x1024xf32>
    %slice3A_888 = vector.extract_strided_slice %get3A_63 {offsets = [24, 0], sizes = [1, 1024], strides = [1, 1]} : vector<32x1024xf32> to vector<1x1024xf32>
    %slice3A_889 = vector.extract_strided_slice %get3A_63 {offsets = [25, 0], sizes = [1, 1024], strides = [1, 1]} : vector<32x1024xf32> to vector<1x1024xf32>
    %mul3A_890 = arith.mulf %convert_element_type3A_887, %slice3A_888 : vector<1x1024xf32>
    %mul3A_891 = arith.mulf %convert_element_type3A_887, %slice3A_889 : vector<1x1024xf32>
    %concatenate3A_892 = tpu.concatenate %broadcast_in_dim3A_65, %slice3A_888, %slice3A_889, %convert_element_type3A_887, %mul3A_890, %mul3A_891, %broadcast_in_dim3A_67 in 0 : vector<1x1024xf32>, vector<1x1024xf32>, vector<1x1024xf32>, vector<1x1024xf32>, vector<1x1024xf32>, vector<1x1024xf32>, vector<2x1024xf32> -> vector<8x1024xf32>
    %convert_element_type3A_893 = arith.truncf %concatenate3A_892 : vector<8x1024xf32> to vector<8x1024xbf16>
    %dot_general3A_894 = arith.constant dense<0.000000e+00> : vector<64x1024xf32>
    %dot_general3A_895 = tpu.matmul %convert_element_type3A, %convert_element_type3A_893, %dot_general3A_894 {dimension_numbers = #tpu.dot_dimension_numbers<[0], [0], [1], [1], [0, 1, 1, 1], [], []>, transpose_lhs_hint = false} : vector<8x64xbf16>, vector<8x1024xbf16>, vector<64x1024xf32> -> vector<64x1024xf32>
    %swap3A_896 = arith.constant 12 : index
    %swap3A_897 = arith.constant 0 : index
    %swap3A_898 = arith.constant 0 : index
    %swap3A_899 = vector.load %arg7[%swap3A_896, %swap3A_897, %swap3A_898] : memref<16x64x1024xf32, #tpu.memory_space<vmem>>, vector<1x64x1024xf32>
    %swap3A_900 = vector.shape_cast %swap3A_899 : vector<1x64x1024xf32> to vector<64x1024xf32>
    %swap3A_901 = vector.shape_cast %dot_general3A_895 : vector<64x1024xf32> to vector<1x64x1024xf32>
    tpu.vector_store %arg7[%swap3A_896, %swap3A_897, %swap3A_898], %swap3A_901 {strides = array<i32>} : memref<16x64x1024xf32, #tpu.memory_space<vmem>>, vector<1x64x1024xf32>,
    %mul3A_902 = arith.constant 16 : i32
    %mul3A_903 = arith.muli %mul3A_902, %arg0 : i32
    %add3A_904 = arith.constant 13 : i32
    %add3A_905 = arith.addi %mul3A_903, %add3A_904 : i32
    %jit3A_906 = arith.constant 20 : i32
    %div3A_907 = arith.divsi %add3A_905, %jit3A_906 : i32
    %sign3A_908 = arith.constant 0 : i32
    %sign3A_909 = arith.cmpi sgt, %add3A_905, %sign3A_908 : i32
    %sign3A_910 = arith.extui %sign3A_909 : i1 to i32
    %sign3A_911 = arith.constant 0 : i32
    %sign3A_912 = arith.cmpi slt, %add3A_905, %sign3A_911 : i32
    %sign3A_913 = arith.extui %sign3A_912 : i1 to i32
    %sign3A_914 = arith.subi %sign3A_910, %sign3A_913 : i32
    %sign3A_915 = arith.constant 0 : i32
    %sign3A_916 = arith.cmpi sgt, %jit3A_906, %sign3A_915 : i32
    %sign3A_917 = arith.extui %sign3A_916 : i1 to i32
    %sign3A_918 = arith.constant 0 : i32
    %sign3A_919 = arith.cmpi slt, %jit3A_906, %sign3A_918 : i32
    %sign3A_920 = arith.extui %sign3A_919 : i1 to i32
    %sign3A_921 = arith.subi %sign3A_917, %sign3A_920 : i32
    %ne3A_922 = arith.cmpi ne, %sign3A_914, %sign3A_921 : i32
    %rem3A_923 = arith.remsi %add3A_905, %jit3A_906 : i32
    %ne3A_924 = arith.constant 0 : i32
    %ne3A_925 = arith.cmpi ne, %rem3A_923, %ne3A_924 : i32
    %and3A_926 = arith.andi %ne3A_922, %ne3A_925 : i1
    %sub3A_927 = arith.constant 1 : i32
    %sub3A_928 = arith.subi %div3A_907, %sub3A_927 : i32
    %select_n3A_929 = arith.select %and3A_926, %sub3A_928, %div3A_907 : i32
    %jit3A_930 = arith.constant 20 : i32
    %eq3A_931 = arith.constant 0 : i32
    %eq3A_932 = arith.cmpi eq, %jit3A_930, %eq3A_931 : i32
    %jit3A_933 = arith.constant 1 : i32
    %select_n3A_934 = arith.select %eq3A_932, %jit3A_933, %jit3A_930 : i32
    %rem3A_935 = arith.remsi %add3A_905, %select_n3A_934 : i32
    %ne3A_936 = arith.constant 0 : i32
    %ne3A_937 = arith.cmpi ne, %rem3A_935, %ne3A_936 : i32
    %lt3A_938 = arith.constant 0 : i32
    %lt3A_939 = arith.cmpi slt, %rem3A_935, %lt3A_938 : i32
    %lt3A_940 = arith.constant 0 : i32
    %lt3A_941 = arith.cmpi slt, %select_n3A_934, %lt3A_940 : i32
    %ne3A_942 = arith.xori %lt3A_939, %lt3A_941 : i1
    %and3A_943 = arith.andi %ne3A_942, %ne3A_937 : i1
    %add3A_944 = arith.addi %rem3A_935, %select_n3A_934 : i32
    %select_n3A_945 = arith.select %and3A_943, %add3A_944, %rem3A_935 : i32
    %lt3A_946 = vector.broadcast %select_n3A_929 : i32 to vector<1x1024xi32>
    %lt3A_947 = arith.cmpi slt, %lt3A_946, %get3A_60 : vector<1x1024xi32>
    %lt3A_948 = vector.broadcast %select_n3A_945 : i32 to vector<1x1024xi32>
    %lt3A_949 = arith.cmpi slt, %lt3A_948, %get3A_60 : vector<1x1024xi32>
    %and3A_950 = arith.andi %lt3A_947, %lt3A_949 : vector<1x1024xi1>
    %convert_element_type3A_951 = arith.extui %and3A_950 : vector<1x1024xi1> to vector<1x1024xi32>
    %convert_element_type3A_952 = arith.sitofp %convert_element_type3A_951 : vector<1x1024xi32> to vector<1x1024xf32>
    %slice3A_953 = vector.extract_strided_slice %get3A_63 {offsets = [26, 0], sizes = [1, 1024], strides = [1, 1]} : vector<32x1024xf32> to vector<1x1024xf32>
    %slice3A_954 = vector.extract_strided_slice %get3A_63 {offsets = [27, 0], sizes = [1, 1024], strides = [1, 1]} : vector<32x1024xf32> to vector<1x1024xf32>
    %mul3A_955 = arith.mulf %convert_element_type3A_952, %slice3A_953 : vector<1x1024xf32>
    %mul3A_956 = arith.mulf %convert_element_type3A_952, %slice3A_954 : vector<1x1024xf32>
    %concatenate3A_957 = tpu.concatenate %broadcast_in_dim3A_65, %slice3A_953, %slice3A_954, %convert_element_type3A_952, %mul3A_955, %mul3A_956, %broadcast_in_dim3A_67 in 0 : vector<1x1024xf32>, vector<1x1024xf32>, vector<1x1024xf32>, vector<1x1024xf32>, vector<1x1024xf32>, vector<1x1024xf32>, vector<2x1024xf32> -> vector<8x1024xf32>
    %convert_element_type3A_958 = arith.truncf %concatenate3A_957 : vector<8x1024xf32> to vector<8x1024xbf16>
    %dot_general3A_959 = arith.constant dense<0.000000e+00> : vector<64x1024xf32>
    %dot_general3A_960 = tpu.matmul %convert_element_type3A, %convert_element_type3A_958, %dot_general3A_959 {dimension_numbers = #tpu.dot_dimension_numbers<[0], [0], [1], [1], [0, 1, 1, 1], [], []>, transpose_lhs_hint = false} : vector<8x64xbf16>, vector<8x1024xbf16>, vector<64x1024xf32> -> vector<64x1024xf32>
    %swap3A_961 = arith.constant 13 : index
    %swap3A_962 = arith.constant 0 : index
    %swap3A_963 = arith.constant 0 : index
    %swap3A_964 = vector.load %arg7[%swap3A_961, %swap3A_962, %swap3A_963] : memref<16x64x1024xf32, #tpu.memory_space<vmem>>, vector<1x64x1024xf32>
    %swap3A_965 = vector.shape_cast %swap3A_964 : vector<1x64x1024xf32> to vector<64x1024xf32>
    %swap3A_966 = vector.shape_cast %dot_general3A_960 : vector<64x1024xf32> to vector<1x64x1024xf32>
    tpu.vector_store %arg7[%swap3A_961, %swap3A_962, %swap3A_963], %swap3A_966 {strides = array<i32>} : memref<16x64x1024xf32, #tpu.memory_space<vmem>>, vector<1x64x1024xf32>,
    %mul3A_967 = arith.constant 16 : i32
    %mul3A_968 = arith.muli %mul3A_967, %arg0 : i32
    %add3A_969 = arith.constant 14 : i32
    %add3A_970 = arith.addi %mul3A_968, %add3A_969 : i32
    %jit3A_971 = arith.constant 20 : i32
    %div3A_972 = arith.divsi %add3A_970, %jit3A_971 : i32
    %sign3A_973 = arith.constant 0 : i32
    %sign3A_974 = arith.cmpi sgt, %add3A_970, %sign3A_973 : i32
    %sign3A_975 = arith.extui %sign3A_974 : i1 to i32
    %sign3A_976 = arith.constant 0 : i32
    %sign3A_977 = arith.cmpi slt, %add3A_970, %sign3A_976 : i32
    %sign3A_978 = arith.extui %sign3A_977 : i1 to i32
    %sign3A_979 = arith.subi %sign3A_975, %sign3A_978 : i32
    %sign3A_980 = arith.constant 0 : i32
    %sign3A_981 = arith.cmpi sgt, %jit3A_971, %sign3A_980 : i32
    %sign3A_982 = arith.extui %sign3A_981 : i1 to i32
    %sign3A_983 = arith.constant 0 : i32
    %sign3A_984 = arith.cmpi slt, %jit3A_971, %sign3A_983 : i32
    %sign3A_985 = arith.extui %sign3A_984 : i1 to i32
    %sign3A_986 = arith.subi %sign3A_982, %sign3A_985 : i32
    %ne3A_987 = arith.cmpi ne, %sign3A_979, %sign3A_986 : i32
    %rem3A_988 = arith.remsi %add3A_970, %jit3A_971 : i32
    %ne3A_989 = arith.constant 0 : i32
    %ne3A_990 = arith.cmpi ne, %rem3A_988, %ne3A_989 : i32
    %and3A_991 = arith.andi %ne3A_987, %ne3A_990 : i1
    %sub3A_992 = arith.constant 1 : i32
    %sub3A_993 = arith.subi %div3A_972, %sub3A_992 : i32
    %select_n3A_994 = arith.select %and3A_991, %sub3A_993, %div3A_972 : i32
    %jit3A_995 = arith.constant 20 : i32
    %eq3A_996 = arith.constant 0 : i32
    %eq3A_997 = arith.cmpi eq, %jit3A_995, %eq3A_996 : i32
    %jit3A_998 = arith.constant 1 : i32
    %select_n3A_999 = arith.select %eq3A_997, %jit3A_998, %jit3A_995 : i32
    %rem3A_1000 = arith.remsi %add3A_970, %select_n3A_999 : i32
    %ne3A_1001 = arith.constant 0 : i32
    %ne3A_1002 = arith.cmpi ne, %rem3A_1000, %ne3A_1001 : i32
    %lt3A_1003 = arith.constant 0 : i32
    %lt3A_1004 = arith.cmpi slt, %rem3A_1000, %lt3A_1003 : i32
    %lt3A_1005 = arith.constant 0 : i32
    %lt3A_1006 = arith.cmpi slt, %select_n3A_999, %lt3A_1005 : i32
    %ne3A_1007 = arith.xori %lt3A_1004, %lt3A_1006 : i1
    %and3A_1008 = arith.andi %ne3A_1007, %ne3A_1002 : i1
    %add3A_1009 = arith.addi %rem3A_1000, %select_n3A_999 : i32
    %select_n3A_1010 = arith.select %and3A_1008, %add3A_1009, %rem3A_1000 : i32
    %lt3A_1011 = vector.broadcast %select_n3A_994 : i32 to vector<1x1024xi32>
    %lt3A_1012 = arith.cmpi slt, %lt3A_1011, %get3A_60 : vector<1x1024xi32>
    %lt3A_1013 = vector.broadcast %select_n3A_1010 : i32 to vector<1x1024xi32>
    %lt3A_1014 = arith.cmpi slt, %lt3A_1013, %get3A_60 : vector<1x1024xi32>
    %and3A_1015 = arith.andi %lt3A_1012, %lt3A_1014 : vector<1x1024xi1>
    %convert_element_type3A_1016 = arith.extui %and3A_1015 : vector<1x1024xi1> to vector<1x1024xi32>
    %convert_element_type3A_1017 = arith.sitofp %convert_element_type3A_1016 : vector<1x1024xi32> to vector<1x1024xf32>
    %slice3A_1018 = vector.extract_strided_slice %get3A_63 {offsets = [28, 0], sizes = [1, 1024], strides = [1, 1]} : vector<32x1024xf32> to vector<1x1024xf32>
    %slice3A_1019 = vector.extract_strided_slice %get3A_63 {offsets = [29, 0], sizes = [1, 1024], strides = [1, 1]} : vector<32x1024xf32> to vector<1x1024xf32>
    %mul3A_1020 = arith.mulf %convert_element_type3A_1017, %slice3A_1018 : vector<1x1024xf32>
    %mul3A_1021 = arith.mulf %convert_element_type3A_1017, %slice3A_1019 : vector<1x1024xf32>
    %concatenate3A_1022 = tpu.concatenate %broadcast_in_dim3A_65, %slice3A_1018, %slice3A_1019, %convert_element_type3A_1017, %mul3A_1020, %mul3A_1021, %broadcast_in_dim3A_67 in 0 : vector<1x1024xf32>, vector<1x1024xf32>, vector<1x1024xf32>, vector<1x1024xf32>, vector<1x1024xf32>, vector<1x1024xf32>, vector<2x1024xf32> -> vector<8x1024xf32>
    %convert_element_type3A_1023 = arith.truncf %concatenate3A_1022 : vector<8x1024xf32> to vector<8x1024xbf16>
    %dot_general3A_1024 = arith.constant dense<0.000000e+00> : vector<64x1024xf32>
    %dot_general3A_1025 = tpu.matmul %convert_element_type3A, %convert_element_type3A_1023, %dot_general3A_1024 {dimension_numbers = #tpu.dot_dimension_numbers<[0], [0], [1], [1], [0, 1, 1, 1], [], []>, transpose_lhs_hint = false} : vector<8x64xbf16>, vector<8x1024xbf16>, vector<64x1024xf32> -> vector<64x1024xf32>
    %swap3A_1026 = arith.constant 14 : index
    %swap3A_1027 = arith.constant 0 : index
    %swap3A_1028 = arith.constant 0 : index
    %swap3A_1029 = vector.load %arg7[%swap3A_1026, %swap3A_1027, %swap3A_1028] : memref<16x64x1024xf32, #tpu.memory_space<vmem>>, vector<1x64x1024xf32>
    %swap3A_1030 = vector.shape_cast %swap3A_1029 : vector<1x64x1024xf32> to vector<64x1024xf32>
    %swap3A_1031 = vector.shape_cast %dot_general3A_1025 : vector<64x1024xf32> to vector<1x64x1024xf32>
    tpu.vector_store %arg7[%swap3A_1026, %swap3A_1027, %swap3A_1028], %swap3A_1031 {strides = array<i32>} : memref<16x64x1024xf32, #tpu.memory_space<vmem>>, vector<1x64x1024xf32>,
    %mul3A_1032 = arith.constant 16 : i32
    %mul3A_1033 = arith.muli %mul3A_1032, %arg0 : i32
    %add3A_1034 = arith.constant 15 : i32
    %add3A_1035 = arith.addi %mul3A_1033, %add3A_1034 : i32
    %jit3A_1036 = arith.constant 20 : i32
    %div3A_1037 = arith.divsi %add3A_1035, %jit3A_1036 : i32
    %sign3A_1038 = arith.constant 0 : i32
    %sign3A_1039 = arith.cmpi sgt, %add3A_1035, %sign3A_1038 : i32
    %sign3A_1040 = arith.extui %sign3A_1039 : i1 to i32
    %sign3A_1041 = arith.constant 0 : i32
    %sign3A_1042 = arith.cmpi slt, %add3A_1035, %sign3A_1041 : i32
    %sign3A_1043 = arith.extui %sign3A_1042 : i1 to i32
    %sign3A_1044 = arith.subi %sign3A_1040, %sign3A_1043 : i32
    %sign3A_1045 = arith.constant 0 : i32
    %sign3A_1046 = arith.cmpi sgt, %jit3A_1036, %sign3A_1045 : i32
    %sign3A_1047 = arith.extui %sign3A_1046 : i1 to i32
    %sign3A_1048 = arith.constant 0 : i32
    %sign3A_1049 = arith.cmpi slt, %jit3A_1036, %sign3A_1048 : i32
    %sign3A_1050 = arith.extui %sign3A_1049 : i1 to i32
    %sign3A_1051 = arith.subi %sign3A_1047, %sign3A_1050 : i32
    %ne3A_1052 = arith.cmpi ne, %sign3A_1044, %sign3A_1051 : i32
    %rem3A_1053 = arith.remsi %add3A_1035, %jit3A_1036 : i32
    %ne3A_1054 = arith.constant 0 : i32
    %ne3A_1055 = arith.cmpi ne, %rem3A_1053, %ne3A_1054 : i32
    %and3A_1056 = arith.andi %ne3A_1052, %ne3A_1055 : i1
    %sub3A_1057 = arith.constant 1 : i32
    %sub3A_1058 = arith.subi %div3A_1037, %sub3A_1057 : i32
    %select_n3A_1059 = arith.select %and3A_1056, %sub3A_1058, %div3A_1037 : i32
    %jit3A_1060 = arith.constant 20 : i32
    %eq3A_1061 = arith.constant 0 : i32
    %eq3A_1062 = arith.cmpi eq, %jit3A_1060, %eq3A_1061 : i32
    %jit3A_1063 = arith.constant 1 : i32
    %select_n3A_1064 = arith.select %eq3A_1062, %jit3A_1063, %jit3A_1060 : i32
    %rem3A_1065 = arith.remsi %add3A_1035, %select_n3A_1064 : i32
    %ne3A_1066 = arith.constant 0 : i32
    %ne3A_1067 = arith.cmpi ne, %rem3A_1065, %ne3A_1066 : i32
    %lt3A_1068 = arith.constant 0 : i32
    %lt3A_1069 = arith.cmpi slt, %rem3A_1065, %lt3A_1068 : i32
    %lt3A_1070 = arith.constant 0 : i32
    %lt3A_1071 = arith.cmpi slt, %select_n3A_1064, %lt3A_1070 : i32
    %ne3A_1072 = arith.xori %lt3A_1069, %lt3A_1071 : i1
    %and3A_1073 = arith.andi %ne3A_1072, %ne3A_1067 : i1
    %add3A_1074 = arith.addi %rem3A_1065, %select_n3A_1064 : i32
    %select_n3A_1075 = arith.select %and3A_1073, %add3A_1074, %rem3A_1065 : i32
    %lt3A_1076 = vector.broadcast %select_n3A_1059 : i32 to vector<1x1024xi32>
    %lt3A_1077 = arith.cmpi slt, %lt3A_1076, %get3A_60 : vector<1x1024xi32>
    %lt3A_1078 = vector.broadcast %select_n3A_1075 : i32 to vector<1x1024xi32>
    %lt3A_1079 = arith.cmpi slt, %lt3A_1078, %get3A_60 : vector<1x1024xi32>
    %and3A_1080 = arith.andi %lt3A_1077, %lt3A_1079 : vector<1x1024xi1>
    %convert_element_type3A_1081 = arith.extui %and3A_1080 : vector<1x1024xi1> to vector<1x1024xi32>
    %convert_element_type3A_1082 = arith.sitofp %convert_element_type3A_1081 : vector<1x1024xi32> to vector<1x1024xf32>
    %slice3A_1083 = vector.extract_strided_slice %get3A_63 {offsets = [30, 0], sizes = [1, 1024], strides = [1, 1]} : vector<32x1024xf32> to vector<1x1024xf32>
    %slice3A_1084 = vector.extract_strided_slice %get3A_63 {offsets = [31, 0], sizes = [1, 1024], strides = [1, 1]} : vector<32x1024xf32> to vector<1x1024xf32>
    %mul3A_1085 = arith.mulf %convert_element_type3A_1082, %slice3A_1083 : vector<1x1024xf32>
    %mul3A_1086 = arith.mulf %convert_element_type3A_1082, %slice3A_1084 : vector<1x1024xf32>
    %concatenate3A_1087 = tpu.concatenate %broadcast_in_dim3A_65, %slice3A_1083, %slice3A_1084, %convert_element_type3A_1082, %mul3A_1085, %mul3A_1086, %broadcast_in_dim3A_67 in 0 : vector<1x1024xf32>, vector<1x1024xf32>, vector<1x1024xf32>, vector<1x1024xf32>, vector<1x1024xf32>, vector<1x1024xf32>, vector<2x1024xf32> -> vector<8x1024xf32>
    %convert_element_type3A_1088 = arith.truncf %concatenate3A_1087 : vector<8x1024xf32> to vector<8x1024xbf16>
    %dot_general3A_1089 = arith.constant dense<0.000000e+00> : vector<64x1024xf32>
    %dot_general3A_1090 = tpu.matmul %convert_element_type3A, %convert_element_type3A_1088, %dot_general3A_1089 {dimension_numbers = #tpu.dot_dimension_numbers<[0], [0], [1], [1], [0, 1, 1, 1], [], []>, transpose_lhs_hint = false} : vector<8x64xbf16>, vector<8x1024xbf16>, vector<64x1024xf32> -> vector<64x1024xf32>
    %swap3A_1091 = arith.constant 15 : index
    %swap3A_1092 = arith.constant 0 : index
    %swap3A_1093 = arith.constant 0 : index
    %swap3A_1094 = vector.load %arg7[%swap3A_1091, %swap3A_1092, %swap3A_1093] : memref<16x64x1024xf32, #tpu.memory_space<vmem>>, vector<1x64x1024xf32>
    %swap3A_1095 = vector.shape_cast %swap3A_1094 : vector<1x64x1024xf32> to vector<64x1024xf32>
    %swap3A_1096 = vector.shape_cast %dot_general3A_1090 : vector<64x1024xf32> to vector<1x64x1024xf32>
    tpu.vector_store %arg7[%swap3A_1091, %swap3A_1092, %swap3A_1093], %swap3A_1096 {strides = array<i32>} : memref<16x64x1024xf32, #tpu.memory_space<vmem>>, vector<1x64x1024xf32>,
    return
  }
  func.func @transform_0(%arg0: i32) -> (i32, i32) {
    %c0_i32 = arith.constant 0 : i32
    %c0_i32_0 = arith.constant 0 : i32
    %c0_i32_1 = arith.constant 0 : i32
    return %c0_i32, %c0_i32_0 : i32, i32
  }
  func.func @transform_1(%arg0: i32) -> (i32, i32) {
    %c0_i32 = arith.constant 0 : i32
    %c0_i32_0 = arith.constant 0 : i32
    return %arg0, %c0_i32 : i32, i32
  }
  func.func @transform_2(%arg0: i32) -> (i32, i32) {
    %c0_i32 = arith.constant 0 : i32
    %c0_i32_0 = arith.constant 0 : i32
    %c0_i32_1 = arith.constant 0 : i32
    return %c0_i32, %c0_i32_0 : i32, i32
  }
  func.func @transform_3(%arg0: i32) -> (i32, i32) {
    %c0_i32 = arith.constant 0 : i32
    %c0_i32_0 = arith.constant 0 : i32
    %c0_i32_1 = arith.constant 0 : i32
    return %c0_i32, %c0_i32_0 : i32, i32
  }
  func.func @transform_4(%arg0: i32) -> (i32, i32) {
    %c0_i32 = arith.constant 0 : i32
    %c0_i32_0 = arith.constant 0 : i32
    %c0_i32_1 = arith.constant 0 : i32
    return %c0_i32, %c0_i32_0 : i32, i32
  }
  func.func @transform_5(%arg0: i32) -> (i32, i32) {
    %c0_i32 = arith.constant 0 : i32
    %c0_i32_0 = arith.constant 0 : i32
    %c0_i32_1 = arith.constant 0 : i32
    return %c0_i32, %c0_i32_0 : i32, i32
  }
  func.func @transform_6(%arg0: i32) -> (i32, i32, i32) {
    %c0_i32 = arith.constant 0 : i32
    %c0_i32_0 = arith.constant 0 : i32
    %c0_i32_1 = arith.constant 0 : i32
    return %arg0, %c0_i32, %c0_i32_0 : i32, i32, i32
  }
}

</mosaic_0001>

<sc_bundles>
// kernel: kernel.6.cloned.1.call-start
scs
__scs_entry_jumppad:
0x0: {  	(pc) =	sbr.rel $0x88, $3  }
0x1: {  	(tag) =	ssettag $0x0;
	lr =	simm.s32 $0x1  }
0x2: {  	[smem:$0x3F97] =	sst lr;
	_ =	strace $0xD0000000  }
0x3: {  	_ = 	snop  }
0x4: {  	_ = 	snop  }
0x5: {  	_ = 	snop  }
0x6: {  	_ = 	snop  }
0x7: {  	_ = 	snop  }
__scs_overlays_trampoline_lowered:
0x8: {  	[smem:$0x3FA6] =	sst s0  }
0x9: {  	[smem:$0x3FA7] =	sst s1  }
0xa: {  	[smem:$0x3FA8] =	sst s2  }
0xb: {  	[smem:$0x3FA9] =	sst s3  }
0xc: {  	[smem:$0x3FAA] =	sst s4  }
0xd: {  	[smem:$0x3FAB] =	sst s5  }
0xe: {  	[smem:$0x3FAC] =	sst s6  }
0xf: {  	[smem:$0x3FAD] =	sst s7  }
0x10: {  	[smem:$0x3FAE] =	sst s8  }
0x11: {  	[smem:$0x3FAF] =	sst s9;
	s0 =	simm.s32 @!p0 $0x0  }
0x12: {  	s1 =	sld [smem:$0x3F95];
	s0 =	simm.s32 @p0 $0x1  }
0x13: {  	[smem:$0x3FB0] =	sst s0;
	s0 =	simm.s32 @!p1 $0x0  }
0x14: {  	s2 =	sld [smem:$0x3F94];
	s0 =	simm.s32 @p1 $0x1  }
0x15: {  	[smem:$0x3FB1] =	sst s0;
	s0 =	simm.s32 @!p2 $0x0  }
0x16: {  	s3 =	sld [smem:$0x3FDB];
	s0 =	simm.s32 @p2 $0x1  }
0x17: {  	s4 =	simm.s32 $0x1BF5;
	[smem:$0x3FB3] =	sst s0  }
0x18: {  	s0 =	sld [smem:$0x3F96];
	_ =	swait.ge [sflag:s4], $0x0  }
0x19: {  	s7 =	sld [smem:$0x3F97]  }
0x1a: {  	s8 =	sadd.s32 $0xFFFFE003, lr  }
0x1b: {  	s9 =	sadd.s32 $0xFFFFFEF7, lr;
	s5 =	simm.s32 $0xFFFFFFFF;
	p2 =	slt.u32 s8, $0xFFFFF086  }
0x1c: {  	p1 =	slt.u32 s9, $0xF7A;
	s5 =	simm.s32 @!p2 $0x0  }
0x1d: {  	s5 =	simm.s32 @p1 $0x1;
	p0 =	seq.s32 s7, s2  }
0x1e: {  	s7 =	smul.u32 @!p0 $0xF7A, s2;
	p2 =	seq.s32 @!p0 s5, $0x0  }
0x1f: {  	s9 =	smul.u32 $0xF7A, s1;
	s8 =	simm.s32 @!p0 $0x1BF5;
	p2 =	por !p2, p0  }
0x20: {  	[sflag:s8] =	ssyncset.s32 @!p0 $0xFFFFF086;
	s6 =	sadd.s32 @!p0 s3, s7;
	s7 =	simm.s32 @!p0 $0x108  }
0x21: {  	s3 =	sadd.s32 s3, s9;
	s6 =	sadd.s32 @!p0 $0x88, s6;
	s7 =	simm.s32 @p2 $0x1082  }
0x22: {  	[simem:s7], [sflag:s8] =	dma.local @!p0 [hbm:s6], $0xF7A  }
0x23: {  	s9 =	sor.u32 $0xD0000000, s2;
	s6 =	simm.s32 $0x108;
	_ =	swait.ge @!p0 [sflag:s8], $0x0  }
0x24: {  	s3 =	sadd.s32 $0x88, s3;
	s6 =	simm.s32 @!p1 $0x1082;
	[sflag:s4] =	ssyncset.s32 $0xFFFFF086  }
0x25: {  	[simem:s6], [sflag:s4] =	dma.local [hbm:s3], $0xF7A  }
0x26: {  	[smem:$0x3F97] =	sst s1;
	(tag) =	ssettag s2;
	_ =	strace s9  }
0x27: {  	s1 =	sld [smem:$0x3FA7]  }
0x28: {  	s2 =	sld [smem:$0x3FA8]  }
0x29: {  	s4 =	sld [smem:$0x3FAA]  }
0x2a: {  	p0 =	seq.s32 s5, $0x0;
	s5 =	sld [smem:$0x3FAB]  }
0x2b: {  	s6 =	sld [smem:$0x3FAC]  }
0x2c: {  	s7 =	sld [smem:$0x3FAD]  }
0x2d: {  	s3 =	simm.s32 $0x108;
	s8 =	sld [smem:$0x3FAE]  }
0x2e: {  	s3 =	simm.s32 @!p0 $0x1082;
	s9 =	sld [smem:$0x3FAF]  }
0x2f: {  	lr =	sadd.s32 s0, s3;
	s0 =	sld [smem:$0x3FA6]  }
0x30: {  	s3 =	sld [smem:$0x3FA9]  }
0x31: {  	[smem:$0x3FB2] =	sst s10  }
0x32: {  	s10 =	sld [smem:$0x3FB0];
	_ =	sdelay $0x3  }
0x33: {  	p0 =	seq.s32 s10, $0x1;
	s10 =	sld [smem:$0x3FB2];
	_ =	sdelay $0x3  }
0x34: {  	[smem:$0x3FB2] =	sst s10  }
0x35: {  	s10 =	sld [smem:$0x3FB1];
	_ =	sdelay $0x3  }
0x36: {  	p1 =	seq.s32 s10, $0x1;
	s10 =	sld [smem:$0x3FB2];
	_ =	sdelay $0x3  }
0x37: {  	[smem:$0x3FB2] =	sst s10  }
0x38: {  	s10 =	sld [smem:$0x3FB3]  }
0x39: {  	_ = 	snop;
	(pc) =	sbr.ind lr, $3  }
0x3a: {  	_ = 	snop  }
0x3b: {  	_ = 	snop  }
0x3c: {  	p2 =	seq.s32 s10, $0x1;
	s10 =	sld [smem:$0x3FB2]  }
0x3d: {  	_ =	shalt  }
0x3e: {  	_ =	shalt  }
0x3f: {  	_ =	shalt  }
0x40: {  	_ =	shalt  }
0x41: {  	_ =	shalt  }
0x42: {  	_ =	shalt  }
0x43: {  	_ =	shalt  }
0x44: {  	_ =	shalt  }
0x45: {  	_ =	shalt  }
0x46: {  	_ =	shalt  }
0x47: {  	_ =	shalt  }
0x48: {  	_ =	shalt  }
0x49: {  	_ =	shalt  }
0x4a: {  	_ =	shalt  }
0x4b: {  	_ =	shalt  }
0x4c: {  	_ =	shalt  }
0x4d: {  	_ =	shalt  }
0x4e: {  	_ =	shalt  }
0x4f: {  	_ =	shalt  }
0x50: {  	_ =	shalt  }
0x51: {  	_ =	shalt  }
0x52: {  	_ =	shalt  }
0x53: {  	_ =	shalt  }
0x54: {  	_ =	shalt  }
0x55: {  	_ =	shalt  }
0x56: {  	_ =	shalt  }
0x57: {  	_ =	shalt  }
0x58: {  	_ =	shalt  }
0x59: {  	_ =	shalt  }
0x5a: {  	_ =	shalt  }
0x5b: {  	_ =	shalt  }
0x5c: {  	_ =	shalt  }
0x5d: {  	_ =	shalt  }
0x5e: {  	_ =	shalt  }
0x5f: {  	_ =	shalt  }
0x60: {  	_ =	shalt  }
0x61: {  	_ =	shalt  }
0x62: {  	_ =	shalt  }
0x63: {  	_ =	shalt  }
0x64: {  	_ =	shalt  }
0x65: {  	_ =	shalt  }
0x66: {  	_ =	shalt  }
0x67: {  	_ =	shalt  }
0x68: {  	_ =	shalt  }
0x69: {  	_ =	shalt  }
0x6a: {  	_ =	shalt  }
0x6b: {  	_ =	shalt  }
0x6c: {  	_ =	shalt  }
0x6d: {  	_ =	shalt  }
0x6e: {  	_ =	shalt  }
0x6f: {  	_ =	shalt  }
0x70: {  	_ =	shalt  }
0x71: {  	_ =	shalt  }
0x72: {  	_ =	shalt  }
0x73: {  	_ =	shalt  }
0x74: {  	_ =	shalt  }
0x75: {  	_ =	shalt  }
0x76: {  	_ =	shalt  }
0x77: {  	_ =	shalt  }
0x78: {  	_ =	shalt  }
0x79: {  	_ =	shalt  }
0x7a: {  	_ =	shalt  }
0x7b: {  	_ =	shalt  }
0x7c: {  	_ =	shalt  }
0x7d: {  	_ =	shalt  }
0x7e: {  	_ =	shalt  }
0x7f: {  	_ =	shalt  }
0x80: {  	_ =	shalt  }
0x81: {  	_ =	shalt  }
0x82: {  	_ =	shalt  }
0x83: {  	_ =	shalt  }
0x84: {  	_ =	shalt  }
0x85: {  	_ =	shalt  }
0x86: {  	_ =	shalt  }
0x87: {  	_ =	shalt  }
.Lfunc_end0:
.L_simem_size_0:
called_computation_lowered:
.L_overlay_start_0:
0x88: {  	s2 =	sld [smem:$0x3FD9]  }
0x89: {  	s3 =	sld [smem:$0x3FFE];
	_ =	sdelay $0x1  }
0x8a: {  	s1 =	srdreg.scid  }
0x8b: {  	s0 =	sand.u32 $0x1, s1  }
0x8c: {  	s14 =	sshll.u32 s0, $0xA;
	s2 =	sadd.s32 s3, s2  }
0x8d: {  	s2 =	sadd.s32 s2, s14  }
0x8e: {  	[smem:$0x3FBE] =	sst s2  }
0x8f: {  	_ = 	snop  }
0x90: {  	s2 =	sld [smem:$0x3FD0];
	_ =	sdelay $0x2  }
0x91: {  	s15 =	simm.s32 $0xA;
	s4 =	simm.s32 $0x10  }
0x92: {  	[smem:s4], [sflag:s15] =	dma.local [hbm:s2], $0x1  }
0x93: {  	_ =	swait.eq [sflag:s15], $0x1  }
0x94: {  	[sflag:s15] =	ssyncset.done $0x0  }
0x95: {  	[sflag:s15] =	ssyncadd.s32 $0xFFFFFFFF  }
0x96: {  	s16 =	sld [smem:$0x10];
	(tm) =	ssettm $0x1  }
0x97: {  	s17 =	sld [smem:$0x3FFB];
	_ =	sdelay $0x3  }
0x98: {  	_ =	strace s17  }
0x99: {  	s3 =	sld [smem:$0x3FFC];
	_ =	sdelay $0x3  }
0x9a: {  	_ =	strace s3  }
0x9b: {  	s3 =	sld [smem:$0x3FFD];
	_ =	sdelay $0x3  }
0x9c: {  	_ =	strace s3  }
0x9d: {  	_ =	strace $0x8FFFFFFF  }
0x9e: {  	s18 =	sld [smem:$0x3FDB];
	_ =	sdelay $0x1  }
0x9f: {  	s19 =	simm.s32 $_scs_section_size  }
0xa0: {  	s5 =	simm.s32 $_size__tile_overlayer_lowered;
	s6 =	simm.s32 $_tile_overlayer_lowered  }
0xa1: {  	s22 =	simm.s32 $0x1BFF;
	s21 =	sshll.u32 s6, $0x1;
	s3 =	sadd.s32 s19, s18  }
0xa2: {  	s7 =	simm.s32 $0x0;
	s20 =	sshll.u32 s5, $0x1;
	s5 =	sadd.s32 s21, s3  }
0xa3: {  	[timem:s7], [sflag:s22] =	dma.local [hbm:s5], s20  }
0xa4: {  	_ =	swait.ge [sflag:s22], s20  }
0xa5: {  	s4 =	ssub.s32 $0x0, s20;
	[sflag:s22] =	ssyncset.done $0x0  }
0xa6: {  	[sflag:s22] =	ssyncadd.s32 s4;
	_ =	sdelay $0x1  }
0xa7: {  	s23 =	simm.s32 $0x1B8B  }
0xa8: {  	_ =	swait.ge [sflag:s23], $0x1  }
0xa9: {  	[sflag:s23] =	ssyncset.done $0x0  }
0xaa: {  	s25 =	simm.s32 $0x1B8E;
	s24 =	sld [smem:$0x3FFE];
	[sflag:s23] =	ssyncadd.s32 $0xFFFFFFFF  }
0xab: {  	s26 =	simm.s32 $execute0_lowered;
	[smem:$0x3FD2] =	sst s25  }
0xac: {  	s5 =	sshll.u32 s26, $0x1;
	_ =	strace $0x80000046;
	[dreg:$0x1] =	wrdreg $0xFFFFFFFF  }
0xad: {  	s28 =	simm.s32 $_size_execute0_lowered;
	s3 =	sadd.s32 s3, s5;
	[dreg:$0x0] =	wrdreg $0x0  }
0xae: {  	s5 =	sshll.u32 s28, $0x1;
	[dreg:$0x2] =	wrdreg s3  }
0xaf: {  	[dreg:$0x3] =	wrdreg s5  }
0xb0: {  	[dreg:$0x4] =	wrdreg $0xC0  }
0xb1: {  	_ =	task [dreg:s7], $0x5FFFF  }
0xb2: {  	[dreg:$0x1] =	wrdreg $0xFFFFFFFF  }
0xb3: {  	[dreg:$0x0] =	wrdreg $0x60  }
0xb4: {  	[dreg:$0x2] =	wrdreg s24  }
0xb5: {  	[dreg:$0x3] =	wrdreg s16  }
0xb6: {  	[dreg:$0x4] =	wrdreg $0x9  }
0xb7: {  	_ =	task.clear_ibuf [dreg:s7], $0x5FFFF;
	_ =	strace $0x90000046  }
0xb8: {  	s29 =	simm.s32 $0x9;
	_ =	strace $0x80000048  }
0xb9: {  	_ =	swait.ge [sflag:s29], $0x1  }
0xba: {  	[sflag:s29] =	ssyncadd.s32 $0xFFFFFFFF  }
0xbb: {  	_ =	strace $0x90000048  }
0xbc: {  	_ =	sfence  }
0xbd: {  	s30 =	sld [smem:$0x0];
	_ =	sdelay $0x2  }
0xbe: {  	s31 =	sshll.u32 s1, $0xD;
	s1 =	sshrl.u32 s1, $0x2  }
0xbf: {  	s3 =	sand.u32 $0x4000, s31;
	s1 =	sadd.s32 s1, s30  }
0xc0: {  	s0 =	sor.u32 s3, s0;
	s1 =	sshll.u32 s1, $0x11  }
0xc1: {  	s0 =	sor.u32 s1, s0  }
0xc2: {  	s0 =	sadd.s32 $0x8F2B, s0  }
0xc3: {  	[sflag:s0] =	ssyncadd.remote.s32 $0x1  }
0xc4: {  	_ =	sfence.sel $0xFFFF  }
0xc5: {  	[dreg:$0x0] =	wrdreg $0xFFFFFFFF;
	(pc) =	sbr.abs _section_cstart, $3  }
0xc6: {  	[dreg:$0x1] =	wrdreg $0xFFFFFFFF  }
0xc7: {  	_ =	task.clear_ibuf [dreg:s7], $0x2FFFF;
	_ =	strace $0x9FFFFFFF  }
0xc8: {  	(tm) =	ssettm $0x7FFFFFFF  }
0xc9: {  	_ =	shalt  }
tec
execute0_lowered:
.L_overlay_start_1:
0x0: {  	(tag) =	ssettag $0x1  }
0x1: {  	s0 =	rddreg [dreg:$0x0]  }
0x2: {  	s1 =	rddreg [dreg:$0x1]  }
0x3: {  	s3 =	srdreg.scid;
	s5 =	stileid.u32  }
0x4: {  	s2 =	simm.s32 $0x0;
	s28 =	simm.s32 $0x3;
	s26 =	simm.s32 $0x400  }
0x5: {  	s13 =	simm.s32 $0x800;
	s14 =	simm.s32 $0xC800;
	s29 =	simm.s32 $0x480  }
0x6: {  	s30 =	simm.s32 $0x100;
	s31 =	simm.s32 $0x500;
	p0 =	por $0x0, $0x0  }
0x7: {  	s15 =	simm.s32 $0x1;
	s4 =	sand.u32 $0x1, s3;
	s17 =	sshll.u32 s5, $0x1  }
0x8: {  	[smem:$0x7FF] =	sst s2;
	s9 =	sadd.s32 $0x189600, s0;
	s5 =	sor.u32 s4, s17  }
0x9: {  	s3 =	sadd.s32 $0x2C00, s0;
	_ =	strace $0x80000047;
	s18 =	smul.u32 $0x2800, s5  }
0xa: {  	s4 =	ssub.s32 $0x2, s4;
	s6 =	sshll.u32 s5, $0x7;
	s5 =	smul.u32 $0x14000, s5  }
0xb: {  	s20 =	sshrl.u32 s4, $0x1;
	s7 =	sadd.s32 s6, s0;
	s0 =	sadd.s32 $0x1D9600, s0  }
0xc: {  	s1 =	sadd.s32 s1, s6;
	s10 =	ssub.s32 s4, s20;
	s20 =	simm.s32 $0x14800  }
0xd: {  	s6 =	simm.s32 $0x2;
	[dreg:$0x3] =	wrdreg s1;
	s19 =	sadd.s32 $0x1C00, s7  }
0xe: {  	s21 =	sadd.s32 s9, s18;
	s22 =	sshrl.u32 s5, $0x3;
	[dreg:$0x4] =	wrdreg s19  }
0xf: {  	s25 =	smax.u32 s10, $0x1;
	s10 =	simm.s32 $0x10800;
	[dreg:$0x5] =	wrdreg s21  }
0x10: {  	s21 =	sadd.s32 s0, s18;
	s23 =	sadd.s32 $0x800, s22;
	s5 =	sadd.s32 $0x1000, s22  }
0x11: {  	s24 =	sadd.s32 $0x1800, s22;
	s1 =	sadd.s32 $0x2000, s22;
	s18 =	simm.s32 $0x80  }
0x12: {  	s19 =	simm.s32 $0x8800;
	p1 =	sne.s32 s25, $0x1;
	s22 =	simm.s32 $0x200  }
.Ltmp0:
0x13: {  	s16 =	sadd.s32 s9, s23;
	s17 =	sadd.s32 s0, s23;
	(pc) =	sbr.rel @!p1 .LBB2_3-.Ltmp0, $4  }
0x14: {  	s11 =	sadd.s32 s9, s5;
	s12 =	sadd.s32 s0, s5;
	s7 =	sadd.s32 s9, s24  }
0x15: {  	s8 =	sadd.s32 s0, s24;
	s4 =	sadd.s32 s9, s1;
	s5 =	sadd.s32 s0, s1  }
0x16: {  	s9 =	simm.s32 $0x4800;
	s0 =	sadd.s32 $0xFFFFFFFF, s25;
	s24 =	simm.s32 $0x180  }
0x17: {  	s25 =	simm.s32 $0x580;
	s23 =	simm.s32 $0x600;
	s1 =	rddreg [dreg:$0x3]  }
0x18: {  	[tilespmem:s2], [sflag:$0x3] =	stream.linear.gather [hbm4b:s1+s2], $0x400, $0x38;
	[tilespmem:$0x18800] =	vst v63  }
0x19: {  	_ =	swait.ge [sflag:s28], $0x400  }
0x1a: {  	[sflag:s28] =	ssyncset.done $0x0  }
0x1b: {  	s1 =	rddreg [dreg:$0x4];
	[sflag:s28] =	ssyncadd.s32 $0xFFFFFC00  }
0x1c: {  	[tilespmem:s26], [sflag:$0x3] =	stream.linear.gather [hbm4b:s1+s2], $0x400, $0x38;
	[tilespmem:$0x18800] =	vst v63  }
0x1d: {  	_ =	swait.ge [sflag:s28], $0x400  }
0x1e: {  	[sflag:s28] =	ssyncset.done $0x0  }
0x1f: {  	[sflag:s28] =	ssyncadd.s32 $0xFFFFFC00  }
0x20: {  	[tilespmem:s13], [sflag:$0x1] =	stream.indirect.gather [hbm4b:s3+s18], $0x80, s2, s18, $0xb8;
	[tilespmem:$0x18800] =	vst v63  }
0x21: {  	_ = 	snop  }
0x22: {  	[tilespmem:s14], [sflag:$0x1] =	stream.indirect.gather [hbm4b:s3+s18], $0x80, s26, s18, $0xb8;
	[tilespmem:$0x18800] =	vst v63  }
0x23: {  	_ = 	snop  }
0x24: {  	[tilespmem:s9], [sflag:$0x1] =	stream.indirect.gather [hbm4b:s3+s18], $0x80, s18, s18, $0xb8;
	[tilespmem:$0x18800] =	vst v63  }
0x25: {  	_ = 	snop  }
0x26: {  	[tilespmem:s10], [sflag:$0x1] =	stream.indirect.gather [hbm4b:s3+s18], $0x80, s29, s18, $0xb8;
	[tilespmem:$0x18800] =	vst v63  }
0x27: {  	_ = 	snop  }
0x28: {  	[tilespmem:s19], [sflag:$0x1] =	stream.indirect.gather [hbm4b:s3+s18], $0x80, s30, s18, $0xb8;
	[tilespmem:$0x18800] =	vst v63  }
0x29: {  	_ = 	snop  }
0x2a: {  	[tilespmem:s20], [sflag:$0x1] =	stream.indirect.gather [hbm4b:s3+s18], $0x80, s31, s18, $0xb8;
	[tilespmem:$0x18800] =	vst v63  }
0x2b: {  	_ =	swait.ge [sflag:s15], $0x4000  }
0x2c: {  	[sflag:s15] =	ssyncset.done $0x0  }
0x2d: {  	[sflag:s15] =	ssyncadd.s32 $0xFFFFC000  }
0x2e: {  	_ =	swait.ge [sflag:s15], $0x4000  }
0x2f: {  	[sflag:s15] =	ssyncset.done $0x0  }
0x30: {  	s1 =	rddreg [dreg:$0x5];
	[sflag:s15] =	ssyncadd.s32 $0xFFFFC000  }
0x31: {  	[hbm4b:s1+s2] =	stream.linear.scatter [tilespmem:s13], [sflag:$0x2], $0x4000, $0x38;
	[tilespmem:$0x18800] =	vst v63  }
0x32: {  	_ = 	snop  }
0x33: {  	[hbm4b:s21+s2] =	stream.linear.scatter [tilespmem:s14], [sflag:$0x2], $0x4000, $0x38;
	[tilespmem:$0x18800] =	vst v63  }
0x34: {  	_ =	swait.ge [sflag:s6], $0x4000  }
0x35: {  	[sflag:s6] =	ssyncset.done $0x0  }
0x36: {  	[sflag:s6] =	ssyncadd.s32 $0xFFFFC000  }
0x37: {  	_ =	swait.ge [sflag:s6], $0x4000  }
0x38: {  	[sflag:s6] =	ssyncset.done $0x0  }
0x39: {  	[sflag:s6] =	ssyncadd.s32 $0xFFFFC000  }
0x3a: {  	[tilespmem:s13], [sflag:$0x1] =	stream.indirect.gather [hbm4b:s3+s18], $0x80, s24, s18, $0xb8;
	[tilespmem:$0x18800] =	vst v63  }
0x3b: {  	_ = 	snop  }
0x3c: {  	[tilespmem:s14], [sflag:$0x1] =	stream.indirect.gather [hbm4b:s3+s18], $0x80, s25, s18, $0xb8;
	[tilespmem:$0x18800] =	vst v63  }
0x3d: {  	_ =	swait.ge [sflag:s15], $0x4000  }
0x3e: {  	[sflag:s15] =	ssyncset.done $0x0  }
0x3f: {  	[sflag:s15] =	ssyncadd.s32 $0xFFFFC000  }
0x40: {  	_ =	swait.ge [sflag:s15], $0x4000  }
0x41: {  	[sflag:s15] =	ssyncset.done $0x0  }
0x42: {  	[sflag:s15] =	ssyncadd.s32 $0xFFFFC000  }
0x43: {  	[hbm4b:s16+s2] =	stream.linear.scatter [tilespmem:s9], [sflag:$0x2], $0x4000, $0x38;
	[tilespmem:$0x18800] =	vst v63  }
0x44: {  	_ = 	snop  }
0x45: {  	[hbm4b:s17+s2] =	stream.linear.scatter [tilespmem:s10], [sflag:$0x2], $0x4000, $0x38;
	[tilespmem:$0x18800] =	vst v63  }
0x46: {  	_ =	swait.ge [sflag:s6], $0x4000  }
0x47: {  	[sflag:s6] =	ssyncset.done $0x0  }
0x48: {  	[sflag:s6] =	ssyncadd.s32 $0xFFFFC000  }
0x49: {  	_ =	swait.ge [sflag:s6], $0x4000  }
0x4a: {  	[sflag:s6] =	ssyncset.done $0x0  }
0x4b: {  	[sflag:s6] =	ssyncadd.s32 $0xFFFFC000  }
0x4c: {  	[tilespmem:s9], [sflag:$0x1] =	stream.indirect.gather [hbm4b:s3+s18], $0x80, s22, s18, $0xb8;
	[tilespmem:$0x18800] =	vst v63  }
0x4d: {  	_ = 	snop  }
0x4e: {  	[tilespmem:s10], [sflag:$0x1] =	stream.indirect.gather [hbm4b:s3+s18], $0x80, s23, s18, $0xb8;
	[tilespmem:$0x18800] =	vst v63  }
0x4f: {  	_ =	swait.ge [sflag:s15], $0x4000  }
0x50: {  	[sflag:s15] =	ssyncset.done $0x0  }
0x51: {  	[sflag:s15] =	ssyncadd.s32 $0xFFFFC000  }
0x52: {  	_ =	swait.ge [sflag:s15], $0x4000  }
0x53: {  	[sflag:s15] =	ssyncset.done $0x0  }
0x54: {  	[sflag:s15] =	ssyncadd.s32 $0xFFFFC000  }
0x55: {  	[hbm4b:s11+s2] =	stream.linear.scatter [tilespmem:s19], [sflag:$0x2], $0x4000, $0x38;
	[tilespmem:$0x18800] =	vst v63  }
0x56: {  	_ = 	snop  }
0x57: {  	[hbm4b:s12+s2] =	stream.linear.scatter [tilespmem:s20], [sflag:$0x2], $0x4000, $0x38;
	[tilespmem:$0x18800] =	vst v63  }
0x58: {  	_ =	swait.ge [sflag:s15], $0x4000  }
0x59: {  	[sflag:s15] =	ssyncset.done $0x0  }
0x5a: {  	[sflag:s15] =	ssyncadd.s32 $0xFFFFC000  }
0x5b: {  	_ =	swait.ge [sflag:s15], $0x4000  }
0x5c: {  	[sflag:s15] =	ssyncset.done $0x0  }
0x5d: {  	[sflag:s15] =	ssyncadd.s32 $0xFFFFC000  }
0x5e: {  	[hbm4b:s7+s2] =	stream.linear.scatter [tilespmem:s13], [sflag:$0x2], $0x4000, $0x38;
	[tilespmem:$0x18800] =	vst v63  }
0x5f: {  	_ = 	snop  }
0x60: {  	[hbm4b:s8+s2] =	stream.linear.scatter [tilespmem:s14], [sflag:$0x2], $0x4000, $0x38;
	[tilespmem:$0x18800] =	vst v63  }
0x61: {  	_ =	swait.ge [sflag:s15], $0x4000  }
0x62: {  	[sflag:s15] =	ssyncset.done $0x0  }
0x63: {  	[sflag:s15] =	ssyncadd.s32 $0xFFFFC000  }
0x64: {  	_ =	swait.ge [sflag:s15], $0x4000  }
0x65: {  	[sflag:s15] =	ssyncset.done $0x0  }
0x66: {  	[sflag:s15] =	ssyncadd.s32 $0xFFFFC000  }
0x67: {  	[hbm4b:s4+s2] =	stream.linear.scatter [tilespmem:s9], [sflag:$0x2], $0x4000, $0x38;
	[tilespmem:$0x18800] =	vst v63  }
0x68: {  	_ = 	snop  }
0x69: {  	[hbm4b:s5+s2] =	stream.linear.scatter [tilespmem:s10], [sflag:$0x2], $0x4000, $0x38;
	[tilespmem:$0x18800] =	vst v63  }
0x6a: {  	_ =	swait.ge [sflag:s6], $0x4000  }
0x6b: {  	[sflag:s6] =	ssyncset.done $0x0  }
0x6c: {  	[sflag:s6] =	ssyncadd.s32 $0xFFFFC000  }
0x6d: {  	_ =	swait.ge [sflag:s6], $0x4000  }
0x6e: {  	[sflag:s6] =	ssyncset.done $0x0  }
0x6f: {  	[sflag:s6] =	ssyncadd.s32 $0xFFFFC000  }
0x70: {  	_ =	swait.ge [sflag:s6], $0x4000  }
0x71: {  	[sflag:s6] =	ssyncset.done $0x0  }
0x72: {  	[sflag:s6] =	ssyncadd.s32 $0xFFFFC000  }
0x73: {  	_ =	swait.ge [sflag:s6], $0x4000  }
0x74: {  	[sflag:s6] =	ssyncset.done $0x0  }
0x75: {  	p1 =	sne.s32 s0, $0x1;
	[sflag:s6] =	ssyncadd.s32 $0xFFFFC000  }
.Ltmp1:
0x76: {  	_ =	swait.ge [sflag:s6], $0x4000;
	(pc) =	sbr.rel @!p1 .LBB2_3-.Ltmp1, $4  }
0x77: {  	[sflag:s6] =	ssyncset.done $0x0  }
0x78: {  	[sflag:s6] =	ssyncadd.s32 $0xFFFFC000  }
0x79: {  	s0 =	sadd.s32 $0xFFFFFFFF, s0;
	_ =	swait.ge [sflag:s6], $0x4000  }
0x7a: {  	p0 =	por $0x1, $0x1;
	s1 =	rddreg [dreg:$0x3];
	[sflag:s6] =	ssyncset.done $0x0  }
.LBB2_2:
0x7b: {  	[sflag:s6] =	ssyncadd.s32 $0xFFFFC000  }
0x7c: {  	[tilespmem:s2], [sflag:$0x3] =	stream.linear.gather [hbm4b:s1+s2], $0x400, $0x38;
	[tilespmem:$0x18800] =	vst v63  }
0x7d: {  	_ =	swait.ge [sflag:s28], $0x400  }
0x7e: {  	[sflag:s28] =	ssyncset.done $0x0  }
0x7f: {  	s1 =	rddreg [dreg:$0x4];
	[sflag:s28] =	ssyncadd.s32 $0xFFFFFC00  }
0x80: {  	[tilespmem:s26], [sflag:$0x3] =	stream.linear.gather [hbm4b:s1+s2], $0x400, $0x38;
	[tilespmem:$0x18800] =	vst v63  }
0x81: {  	_ =	swait.ge [sflag:s28], $0x400  }
0x82: {  	[sflag:s28] =	ssyncset.done $0x0  }
0x83: {  	[sflag:s28] =	ssyncadd.s32 $0xFFFFFC00  }
0x84: {  	[tilespmem:s13], [sflag:$0x1] =	stream.indirect.gather [hbm4b:s3+s18], $0x80, s2, s18, $0xb8;
	[tilespmem:$0x18800] =	vst v63  }
0x85: {  	_ = 	snop  }
0x86: {  	[tilespmem:s14], [sflag:$0x1] =	stream.indirect.gather [hbm4b:s3+s18], $0x80, s26, s18, $0xb8;
	[tilespmem:$0x18800] =	vst v63  }
0x87: {  	_ = 	snop  }
0x88: {  	[tilespmem:s9], [sflag:$0x1] =	stream.indirect.gather [hbm4b:s3+s18], $0x80, s18, s18, $0xb8;
	[tilespmem:$0x18800] =	vst v63  }
0x89: {  	_ = 	snop  }
0x8a: {  	[tilespmem:s10], [sflag:$0x1] =	stream.indirect.gather [hbm4b:s3+s18], $0x80, s29, s18, $0xb8;
	[tilespmem:$0x18800] =	vst v63  }
0x8b: {  	_ = 	snop  }
0x8c: {  	[tilespmem:s19], [sflag:$0x1] =	stream.indirect.gather [hbm4b:s3+s18], $0x80, s30, s18, $0xb8;
	[tilespmem:$0x18800] =	vst v63  }
0x8d: {  	_ = 	snop  }
0x8e: {  	[tilespmem:s20], [sflag:$0x1] =	stream.indirect.gather [hbm4b:s3+s18], $0x80, s31, s18, $0xb8;
	[tilespmem:$0x18800] =	vst v63  }
0x8f: {  	_ =	swait.ge [sflag:s15], $0x4000  }
0x90: {  	[sflag:s15] =	ssyncset.done $0x0  }
0x91: {  	[sflag:s15] =	ssyncadd.s32 $0xFFFFC000  }
0x92: {  	_ =	swait.ge [sflag:s15], $0x4000  }
0x93: {  	[sflag:s15] =	ssyncset.done $0x0  }
0x94: {  	s1 =	rddreg [dreg:$0x5];
	[sflag:s15] =	ssyncadd.s32 $0xFFFFC000  }
0x95: {  	[hbm4b:s1+s2] =	stream.linear.scatter [tilespmem:s13], [sflag:$0x2], $0x4000, $0x38;
	[tilespmem:$0x18800] =	vst v63  }
0x96: {  	_ = 	snop  }
0x97: {  	[hbm4b:s21+s2] =	stream.linear.scatter [tilespmem:s14], [sflag:$0x2], $0x4000, $0x38;
	[tilespmem:$0x18800] =	vst v63  }
0x98: {  	_ =	swait.ge [sflag:s6], $0x4000  }
0x99: {  	[sflag:s6] =	ssyncset.done $0x0  }
0x9a: {  	[sflag:s6] =	ssyncadd.s32 $0xFFFFC000  }
0x9b: {  	_ =	swait.ge [sflag:s6], $0x4000  }
0x9c: {  	[sflag:s6] =	ssyncset.done $0x0  }
0x9d: {  	[sflag:s6] =	ssyncadd.s32 $0xFFFFC000  }
0x9e: {  	[tilespmem:s13], [sflag:$0x1] =	stream.indirect.gather [hbm4b:s3+s18], $0x80, s24, s18, $0xb8;
	[tilespmem:$0x18800] =	vst v63  }
0x9f: {  	_ = 	snop  }
0xa0: {  	[tilespmem:s14], [sflag:$0x1] =	stream.indirect.gather [hbm4b:s3+s18], $0x80, s25, s18, $0xb8;
	[tilespmem:$0x18800] =	vst v63  }
0xa1: {  	_ =	swait.ge [sflag:s15], $0x4000  }
0xa2: {  	[sflag:s15] =	ssyncset.done $0x0  }
0xa3: {  	[sflag:s15] =	ssyncadd.s32 $0xFFFFC000  }
0xa4: {  	_ =	swait.ge [sflag:s15], $0x4000  }
0xa5: {  	[sflag:s15] =	ssyncset.done $0x0  }
0xa6: {  	[sflag:s15] =	ssyncadd.s32 $0xFFFFC000  }
0xa7: {  	[hbm4b:s16+s2] =	stream.linear.scatter [tilespmem:s9], [sflag:$0x2], $0x4000, $0x38;
	[tilespmem:$0x18800] =	vst v63  }
0xa8: {  	_ = 	snop  }
0xa9: {  	[hbm4b:s17+s2] =	stream.linear.scatter [tilespmem:s10], [sflag:$0x2], $0x4000, $0x38;
	[tilespmem:$0x18800] =	vst v63  }
0xaa: {  	_ =	swait.ge [sflag:s6], $0x4000  }
0xab: {  	[sflag:s6] =	ssyncset.done $0x0  }
0xac: {  	[sflag:s6] =	ssyncadd.s32 $0xFFFFC000  }
0xad: {  	_ =	swait.ge [sflag:s6], $0x4000  }
0xae: {  	[sflag:s6] =	ssyncset.done $0x0  }
0xaf: {  	[sflag:s6] =	ssyncadd.s32 $0xFFFFC000  }
0xb0: {  	[tilespmem:s9], [sflag:$0x1] =	stream.indirect.gather [hbm4b:s3+s18], $0x80, s22, s18, $0xb8;
	[tilespmem:$0x18800] =	vst v63  }
0xb1: {  	_ = 	snop  }
0xb2: {  	[tilespmem:s10], [sflag:$0x1] =	stream.indirect.gather [hbm4b:s3+s18], $0x80, s23, s18, $0xb8;
	[tilespmem:$0x18800] =	vst v63  }
0xb3: {  	_ =	swait.ge [sflag:s15], $0x4000  }
0xb4: {  	[sflag:s15] =	ssyncset.done $0x0  }
0xb5: {  	[sflag:s15] =	ssyncadd.s32 $0xFFFFC000  }
0xb6: {  	_ =	swait.ge [sflag:s15], $0x4000  }
0xb7: {  	[sflag:s15] =	ssyncset.done $0x0  }
0xb8: {  	[sflag:s15] =	ssyncadd.s32 $0xFFFFC000  }
0xb9: {  	[hbm4b:s11+s2] =	stream.linear.scatter [tilespmem:s19], [sflag:$0x2], $0x4000, $0x38;
	[tilespmem:$0x18800] =	vst v63  }
0xba: {  	_ = 	snop  }
0xbb: {  	[hbm4b:s12+s2] =	stream.linear.scatter [tilespmem:s20], [sflag:$0x2], $0x4000, $0x38;
	[tilespmem:$0x18800] =	vst v63  }
0xbc: {  	_ =	swait.ge [sflag:s15], $0x4000  }
0xbd: {  	[sflag:s15] =	ssyncset.done $0x0  }
0xbe: {  	[sflag:s15] =	ssyncadd.s32 $0xFFFFC000  }
0xbf: {  	_ =	swait.ge [sflag:s15], $0x4000  }
0xc0: {  	[sflag:s15] =	ssyncset.done $0x0  }
0xc1: {  	[sflag:s15] =	ssyncadd.s32 $0xFFFFC000  }
0xc2: {  	[hbm4b:s7+s2] =	stream.linear.scatter [tilespmem:s13], [sflag:$0x2], $0x4000, $0x38;
	[tilespmem:$0x18800] =	vst v63  }
0xc3: {  	_ = 	snop  }
0xc4: {  	[hbm4b:s8+s2] =	stream.linear.scatter [tilespmem:s14], [sflag:$0x2], $0x4000, $0x38;
	[tilespmem:$0x18800] =	vst v63  }
0xc5: {  	_ =	swait.ge [sflag:s15], $0x4000  }
0xc6: {  	[sflag:s15] =	ssyncset.done $0x0  }
0xc7: {  	[sflag:s15] =	ssyncadd.s32 $0xFFFFC000  }
0xc8: {  	_ =	swait.ge [sflag:s15], $0x4000  }
0xc9: {  	[sflag:s15] =	ssyncset.done $0x0  }
0xca: {  	[sflag:s15] =	ssyncadd.s32 $0xFFFFC000  }
0xcb: {  	[hbm4b:s4+s2] =	stream.linear.scatter [tilespmem:s9], [sflag:$0x2], $0x4000, $0x38;
	[tilespmem:$0x18800] =	vst v63  }
0xcc: {  	_ = 	snop  }
0xcd: {  	[hbm4b:s5+s2] =	stream.linear.scatter [tilespmem:s10], [sflag:$0x2], $0x4000, $0x38;
	[tilespmem:$0x18800] =	vst v63  }
0xce: {  	_ =	swait.ge [sflag:s6], $0x4000  }
0xcf: {  	[sflag:s6] =	ssyncset.done $0x0  }
0xd0: {  	[sflag:s6] =	ssyncadd.s32 $0xFFFFC000  }
0xd1: {  	_ =	swait.ge [sflag:s6], $0x4000  }
0xd2: {  	[sflag:s6] =	ssyncset.done $0x0  }
0xd3: {  	[sflag:s6] =	ssyncadd.s32 $0xFFFFC000  }
0xd4: {  	_ =	swait.ge [sflag:s6], $0x4000  }
0xd5: {  	[sflag:s6] =	ssyncset.done $0x0  }
0xd6: {  	[sflag:s6] =	ssyncadd.s32 $0xFFFFC000  }
0xd7: {  	_ =	swait.ge [sflag:s6], $0x4000  }
0xd8: {  	[sflag:s6] =	ssyncset.done $0x0  }
0xd9: {  	p1 =	sne.s32 s0, $0x1;
	[sflag:s6] =	ssyncadd.s32 $0xFFFFC000  }
.Ltmp2:
0xda: {  	_ =	swait.ge [sflag:s6], $0x4000;
	(pc) =	sbr.rel @p1 .LBB2_2-.Ltmp2, $4  }
0xdb: {  	[sflag:s6] =	ssyncset.done $0x0  }
0xdc: {  	[sflag:s6] =	ssyncadd.s32 $0xFFFFC000  }
0xdd: {  	_ =	swait.ge [sflag:s6], $0x4000  }
0xde: {  	s0 =	sadd.s32 $0xFFFFFFFF, s0;
	s1 =	rddreg [dreg:$0x3];
	[sflag:s6] =	ssyncset.done $0x0  }
.LBB2_3:
0xdf: {  	[sflag:s6] =	ssyncadd.s32 @p0 $0xFFFFC000  }
0xe0: {  	[tilespmem:s2], [sflag:$0x3] =	stream.linear.gather [hbm4b:s1+s2], $0x400, $0x38;
	[tilespmem:$0x18800] =	vst v63  }
0xe1: {  	_ =	swait.ge [sflag:s28], $0x400  }
0xe2: {  	[sflag:s28] =	ssyncset.done $0x0  }
0xe3: {  	s0 =	rddreg [dreg:$0x4];
	[sflag:s28] =	ssyncadd.s32 $0xFFFFFC00  }
0xe4: {  	[tilespmem:s26], [sflag:$0x3] =	stream.linear.gather [hbm4b:s0+s2], $0x400, $0x38;
	[tilespmem:$0x18800] =	vst v63  }
0xe5: {  	_ =	swait.ge [sflag:s28], $0x400  }
0xe6: {  	[sflag:s28] =	ssyncset.done $0x0  }
0xe7: {  	[sflag:s28] =	ssyncadd.s32 $0xFFFFFC00  }
0xe8: {  	[tilespmem:s13], [sflag:$0x1] =	stream.indirect.gather [hbm4b:s3+s18], $0x80, s2, s18, $0xb8;
	[tilespmem:$0x18800] =	vst v63  }
0xe9: {  	_ = 	snop  }
0xea: {  	[tilespmem:s14], [sflag:$0x1] =	stream.indirect.gather [hbm4b:s3+s18], $0x80, s26, s18, $0xb8;
	[tilespmem:$0x18800] =	vst v63  }
0xeb: {  	_ = 	snop  }
0xec: {  	[tilespmem:s9], [sflag:$0x1] =	stream.indirect.gather [hbm4b:s3+s18], $0x80, s18, s18, $0xb8;
	[tilespmem:$0x18800] =	vst v63  }
0xed: {  	_ = 	snop  }
0xee: {  	[tilespmem:s10], [sflag:$0x1] =	stream.indirect.gather [hbm4b:s3+s18], $0x80, s29, s18, $0xb8;
	[tilespmem:$0x18800] =	vst v63  }
0xef: {  	_ = 	snop  }
0xf0: {  	[tilespmem:s19], [sflag:$0x1] =	stream.indirect.gather [hbm4b:s3+s18], $0x80, s30, s18, $0xb8;
	[tilespmem:$0x18800] =	vst v63  }
0xf1: {  	_ = 	snop  }
0xf2: {  	[tilespmem:s20], [sflag:$0x1] =	stream.indirect.gather [hbm4b:s3+s18], $0x80, s31, s18, $0xb8;
	[tilespmem:$0x18800] =	vst v63  }
0xf3: {  	_ =	swait.ge [sflag:s15], $0x4000  }
0xf4: {  	[sflag:s15] =	ssyncset.done $0x0  }
0xf5: {  	[sflag:s15] =	ssyncadd.s32 $0xFFFFC000  }
0xf6: {  	_ =	swait.ge [sflag:s15], $0x4000  }
0xf7: {  	[sflag:s15] =	ssyncset.done $0x0  }
0xf8: {  	s30 =	rddreg [dreg:$0x5];
	[sflag:s15] =	ssyncadd.s32 $0xFFFFC000  }
0xf9: {  	[hbm4b:s30+s2] =	stream.linear.scatter [tilespmem:s13], [sflag:$0x2], $0x4000, $0x38;
	[tilespmem:$0x18800] =	vst v63  }
0xfa: {  	_ = 	snop  }
0xfb: {  	[hbm4b:s21+s2] =	stream.linear.scatter [tilespmem:s14], [sflag:$0x2], $0x4000, $0x38;
	[tilespmem:$0x18800] =	vst v63  }
0xfc: {  	_ =	swait.ge [sflag:s6], $0x4000  }
0xfd: {  	[sflag:s6] =	ssyncset.done $0x0  }
0xfe: {  	[sflag:s6] =	ssyncadd.s32 $0xFFFFC000  }
0xff: {  	_ =	swait.ge [sflag:s6], $0x4000  }
0x100: {  	[sflag:s6] =	ssyncset.done $0x0  }
0x101: {  	[sflag:s6] =	ssyncadd.s32 $0xFFFFC000  }
0x102: {  	[tilespmem:s13], [sflag:$0x1] =	stream.indirect.gather [hbm4b:s3+s18], $0x80, s24, s18, $0xb8;
	[tilespmem:$0x18800] =	vst v63  }
0x103: {  	_ = 	snop  }
0x104: {  	[tilespmem:s14], [sflag:$0x1] =	stream.indirect.gather [hbm4b:s3+s18], $0x80, s25, s18, $0xb8;
	[tilespmem:$0x18800] =	vst v63  }
0x105: {  	_ =	swait.ge [sflag:s15], $0x4000  }
0x106: {  	[sflag:s15] =	ssyncset.done $0x0  }
0x107: {  	[sflag:s15] =	ssyncadd.s32 $0xFFFFC000  }
0x108: {  	_ =	swait.ge [sflag:s15], $0x4000  }
0x109: {  	[sflag:s15] =	ssyncset.done $0x0  }
0x10a: {  	[sflag:s15] =	ssyncadd.s32 $0xFFFFC000  }
0x10b: {  	[hbm4b:s16+s2] =	stream.linear.scatter [tilespmem:s9], [sflag:$0x2], $0x4000, $0x38;
	[tilespmem:$0x18800] =	vst v63  }
0x10c: {  	_ = 	snop  }
0x10d: {  	[hbm4b:s17+s2] =	stream.linear.scatter [tilespmem:s10], [sflag:$0x2], $0x4000, $0x38;
	[tilespmem:$0x18800] =	vst v63  }
0x10e: {  	_ =	swait.ge [sflag:s6], $0x4000  }
0x10f: {  	[sflag:s6] =	ssyncset.done $0x0  }
0x110: {  	[sflag:s6] =	ssyncadd.s32 $0xFFFFC000  }
0x111: {  	_ =	swait.ge [sflag:s6], $0x4000  }
0x112: {  	[sflag:s6] =	ssyncset.done $0x0  }
0x113: {  	[sflag:s6] =	ssyncadd.s32 $0xFFFFC000  }
0x114: {  	[tilespmem:s9], [sflag:$0x1] =	stream.indirect.gather [hbm4b:s3+s18], $0x80, s22, s18, $0xb8;
	[tilespmem:$0x18800] =	vst v63  }
0x115: {  	_ = 	snop  }
0x116: {  	[tilespmem:s10], [sflag:$0x1] =	stream.indirect.gather [hbm4b:s3+s18], $0x80, s23, s18, $0xb8;
	[tilespmem:$0x18800] =	vst v63  }
0x117: {  	_ =	swait.ge [sflag:s15], $0x4000  }
0x118: {  	[sflag:s15] =	ssyncset.done $0x0  }
0x119: {  	[sflag:s15] =	ssyncadd.s32 $0xFFFFC000  }
0x11a: {  	_ =	swait.ge [sflag:s15], $0x4000  }
0x11b: {  	[sflag:s15] =	ssyncset.done $0x0  }
0x11c: {  	[sflag:s15] =	ssyncadd.s32 $0xFFFFC000  }
0x11d: {  	[hbm4b:s11+s2] =	stream.linear.scatter [tilespmem:s19], [sflag:$0x2], $0x4000, $0x38;
	[tilespmem:$0x18800] =	vst v63  }
0x11e: {  	_ = 	snop  }
0x11f: {  	[hbm4b:s12+s2] =	stream.linear.scatter [tilespmem:s20], [sflag:$0x2], $0x4000, $0x38;
	[tilespmem:$0x18800] =	vst v63  }
0x120: {  	_ =	swait.ge [sflag:s15], $0x4000  }
0x121: {  	[sflag:s15] =	ssyncset.done $0x0  }
0x122: {  	[sflag:s15] =	ssyncadd.s32 $0xFFFFC000  }
0x123: {  	_ =	swait.ge [sflag:s15], $0x4000  }
0x124: {  	[sflag:s15] =	ssyncset.done $0x0  }
0x125: {  	[sflag:s15] =	ssyncadd.s32 $0xFFFFC000  }
0x126: {  	[hbm4b:s7+s2] =	stream.linear.scatter [tilespmem:s13], [sflag:$0x2], $0x4000, $0x38;
	[tilespmem:$0x18800] =	vst v63  }
0x127: {  	_ = 	snop  }
0x128: {  	[hbm4b:s8+s2] =	stream.linear.scatter [tilespmem:s14], [sflag:$0x2], $0x4000, $0x38;
	[tilespmem:$0x18800] =	vst v63  }
0x129: {  	_ =	swait.ge [sflag:s15], $0x4000  }
0x12a: {  	[sflag:s15] =	ssyncset.done $0x0  }
0x12b: {  	[sflag:s15] =	ssyncadd.s32 $0xFFFFC000  }
0x12c: {  	_ =	swait.ge [sflag:s15], $0x4000  }
0x12d: {  	[sflag:s15] =	ssyncset.done $0x0  }
0x12e: {  	[sflag:s15] =	ssyncadd.s32 $0xFFFFC000  }
0x12f: {  	[hbm4b:s4+s2] =	stream.linear.scatter [tilespmem:s9], [sflag:$0x2], $0x4000, $0x38;
	[tilespmem:$0x18800] =	vst v63  }
0x130: {  	_ = 	snop  }
0x131: {  	[hbm4b:s5+s2] =	stream.linear.scatter [tilespmem:s10], [sflag:$0x2], $0x4000, $0x38;
	[tilespmem:$0x18800] =	vst v63  }
0x132: {  	_ =	swait.ge [sflag:s6], $0x4000  }
0x133: {  	[sflag:s6] =	ssyncset.done $0x0  }
0x134: {  	[sflag:s6] =	ssyncadd.s32 $0xFFFFC000  }
0x135: {  	_ =	swait.ge [sflag:s6], $0x4000  }
0x136: {  	[sflag:s6] =	ssyncset.done $0x0  }
0x137: {  	[sflag:s6] =	ssyncadd.s32 $0xFFFFC000  }
0x138: {  	_ =	swait.ge [sflag:s6], $0x4000  }
0x139: {  	[sflag:s6] =	ssyncset.done $0x0  }
0x13a: {  	[sflag:s6] =	ssyncadd.s32 $0xFFFFC000  }
0x13b: {  	_ =	swait.ge [sflag:s6], $0x4000  }
0x13c: {  	[sflag:s6] =	ssyncset.done $0x0  }
0x13d: {  	[sflag:s6] =	ssyncadd.s32 $0xFFFFC000  }
0x13e: {  	_ =	swait.ge [sflag:s6], $0x4000  }
0x13f: {  	[sflag:s6] =	ssyncset.done $0x0  }
0x140: {  	[sflag:s6] =	ssyncadd.s32 $0xFFFFC000  }
0x141: {  	_ =	swait.ge [sflag:s6], $0x4000  }
0x142: {  	[sflag:s6] =	ssyncset.done $0x0  }
0x143: {  	[sflag:s6] =	ssyncadd.s32 $0xFFFFC000  }
0x144: {  	_ =	sfence.sel $0x180000  }
0x145: {  	[bflag:$0x0] =	sbarrier.arrive $0xFFFF  }
0x146: {  	_ =	strace $0x90000047  }
0x147: {  	s31 =	stileid.u32;
	[bflag:$0x2] =	sbarrier.arrive $0xFFFF  }
0x148: {  	p0 =	sne.s32 s31, $0x0;
	s0 =	rddreg [dreg:$0x2]  }
0x149: {  	s0 =	sadd.s32 @!p0 $0x100000, s0  }
0x14a: {  	[sflag:s0] =	ssyncadd.tile.s32 @!p0 $0x1;
	_ =	shalt  }
.Lfunc_end2:
_tile_overlayer_lowered:
.L_overlay_start_2:
0x14b: {  	(tag) =	ssettag $0x2  }
0x14c: {  	s0 =	rddreg [dreg:$0x0];
	s2 =	stileid.u32  }
0x14d: {  	s1 =	rddreg [dreg:$0x1];
	p0 =	sne.s32 s2, $0x0  }
0x14e: {  	s3 =	rddreg [dreg:$0x2];
	[bflag:$0x3] =	sbarrier.arrive $0xFFFF;
	s2 =	simm.s32 @!p0 $0x1C03  }
0x14f: {  	[timem:s3], [sflag:s2] =	dma.local @!p0 [hbm:s0], s1  }
0x150: {  	s0 =	simm.s32 @!p0 $0x3  }
0x151: {  	_ =	swait.ge @!p0 [sflag:s0], s1  }
0x152: {  	s1 =	ssub.s32 @!p0 $0x0, s1;
	[sflag:s0] =	ssyncset.done @!p0 $0x0  }
0x153: {  	[sflag:s0] =	ssyncadd.s32 @!p0 s1  }
0x154: {  	[bflag:$0x3] =	sbarrier.arrive $0xFFFF  }
0x155: {  	_ =	shalt  }

</sc_bundles>
